<compile_context>
chip_gen: v7x
topology: tpu7x:2x2x1
jax: 0.10.2.dev20260603
libtpu: 0.0.44.dev20260713+nightly
codegen_flags: <defaults>
</compile_context>

<pallas_src>
import dataclasses

import jax
import jax.numpy as jnp
from jax import lax
from jax.experimental import pallas as pl
from jax.experimental.pallas import tpu as pltpu
from jax.experimental.pallas import tpu_sc as plsc

NC = 2
NS = 16
NW = NC * NS
KA = 80


def _make_sc_agg(n_pad, d, n_edges, with_deg=False):
    mesh = plsc.VectorSubcoreMesh(core_axis_name="c", subcore_axis_name="s")
    epw = n_edges // NW
    nblk = epw // KA
    nrow = -(-n_pad // 128)
    nrow8 = -(-nrow // 8) * 8

    out_type = [jax.ShapeDtypeStruct((NC * n_pad, d), jnp.float32)]
    scratch = [
        pltpu.VMEM((KA,), jnp.int32),
        pltpu.VMEM((KA,), jnp.int32),
        pltpu.VMEM((KA, d), jnp.float32),
        pltpu.VMEM_SHARED((n_pad, d), jnp.float32),
        pltpu.SemaphoreType.DMA,
    ]
    if with_deg:
        out_type.append(
            jax.ShapeDtypeStruct((NC * nrow8, 128), jnp.float32))
        scratch += [
            pltpu.VMEM((nrow8, 128), jnp.float32),
            pltpu.VMEM((nrow8,), jnp.int32),
            pltpu.VMEM_SHARED((nrow8, 128), jnp.float32),
        ]

    def body(*refs):
        if with_deg:
            (x_hbm, src_hbm, dst_hbm, z_hbm, iota_hbm, agg_out, deg_out,
             src_v, dst_v, rows_v, agg_s, sem, deg_t, idr_v, deg_s) = refs
        else:
            (x_hbm, src_hbm, dst_hbm, z_hbm, agg_out,
             src_v, dst_v, rows_v, agg_s, sem) = refs
        ci = lax.axis_index("c")
        si = lax.axis_index("s")
        wid = ci * NS + si

        @pl.when(si == 0)
        def _init():
            pltpu.sync_copy(z_hbm, agg_s)
            if with_deg:
                pltpu.sync_copy(z_hbm.at[pl.ds(0, nrow8), :], deg_s)

        if with_deg:
            pltpu.sync_copy(z_hbm.at[pl.ds(0, nrow8), :], deg_t)
            pltpu.sync_copy(iota_hbm, idr_v)

        plsc.subcore_barrier()

        base = wid * epw

        @pl.loop(0, nblk)
        def _blk(i):
            off = base + i * KA
            pltpu.sync_copy(src_hbm.at[pl.ds(off, KA)], src_v)
            pltpu.sync_copy(dst_hbm.at[pl.ds(off, KA)], dst_v)
            gat = pltpu.async_copy(x_hbm.at[src_v], rows_v, sem)
            if with_deg:
                for j in range(KA // 16):
                    idx = dst_v[pl.ds(j * 16, 16)]
                    row = jax.lax.shift_right_logical(idx, 7)
                    col = jax.lax.bitwise_and(idx, 127)
                    plsc.addupdate_scatter(
                        deg_t, [row, col], jnp.ones((16,), jnp.float32))
            gat.wait()
            pltpu.sync_copy(rows_v, agg_s.at[dst_v], add=True)

        if with_deg:
            pltpu.sync_copy(deg_t, deg_s.at[idr_v], add=True)

        plsc.subcore_barrier()

        @pl.when(si == 0)
        def _drain():
            pltpu.sync_copy(agg_s, agg_out.at[pl.ds(ci * n_pad, n_pad), :])
            if with_deg:
                pltpu.sync_copy(
                    deg_s, deg_out.at[pl.ds(ci * nrow8, nrow8), :])

    cp = pltpu.CompilerParams()
    if with_deg and (
            "needs_layout_passes" in pltpu.CompilerParams.__dataclass_fields__):
        cp = dataclasses.replace(cp, needs_layout_passes=False)
    return pl.kernel(body, out_type=out_type, mesh=mesh,
                     scratch_types=scratch, compiler_params=cp)


def _tc_layer1(agg, deg, x, Wl, Wr, b):
    n, d = x.shape
    n_pad = agg.shape[0] // NC

    def body(agg_ref, deg_ref, x_ref, wl_ref, wr_ref, b_ref, h_ref):
        s = agg_ref[:n, :] + agg_ref[n_pad:n_pad + n, :]
        mean = s / jnp.maximum(deg_ref[...], 1.0)
        acc = jnp.dot(mean, wl_ref[...], preferred_element_type=jnp.float32)
        acc = acc + jnp.dot(x_ref[...], wr_ref[...],
                            preferred_element_type=jnp.float32)
        acc = acc + b_ref[...]
        h_ref[...] = jnp.maximum(acc, 0.0)

    return pl.pallas_call(
        body, out_shape=jax.ShapeDtypeStruct((n, d), jnp.float32),
    )(agg, deg, x, Wl, Wr, b.reshape(1, d))


def _tc_layer2(agg, deg, h, Wl, Wr, b):
    n, d = h.shape
    n_pad = agg.shape[0] // NC

    def body(agg_ref, deg_ref, h_ref, wl_ref, wr_ref, b_ref, o_ref, ls_ref):
        s = agg_ref[:n, :] + agg_ref[n_pad:n_pad + n, :]
        mean = s / jnp.maximum(deg_ref[...], 1.0)
        o = jnp.dot(mean, wl_ref[...], preferred_element_type=jnp.float32)
        o = o + jnp.dot(h_ref[...], wr_ref[...],
                        preferred_element_type=jnp.float32)
        o = o + b_ref[...]
        o_ref[...] = o
        m = jnp.max(o, axis=1, keepdims=True)
        lse = jnp.log(jnp.sum(jnp.exp(o - m), axis=1, keepdims=True)) + m
        ls_ref[...] = o - lse

    return pl.pallas_call(
        body,
        out_shape=(jax.ShapeDtypeStruct((n, d), jnp.float32),
                   jax.ShapeDtypeStruct((n, d), jnp.float32)),
    )(agg, deg, h, Wl, Wr, b.reshape(1, d))


def kernel(x, edge_index, W1l, W1r, b1, W2l, W2r, b2):
    n, d = x.shape
    e = edge_index.shape[1]
    ei = edge_index.astype(jnp.int32)
    src, dst = ei[0], ei[1]

    n_pad = -(-n // (NS * 8)) * (NS * 8)
    nrow8 = -(-(-(-n_pad // 128)) // 8) * 8
    zeros = jnp.zeros((n_pad, d), jnp.float32)
    iota_rows = jnp.arange(nrow8, dtype=jnp.int32)

    agg1, degp = _make_sc_agg(n_pad, d, e, True)(x, src, dst, zeros,
                                                 iota_rows)
    deg = (degp[:nrow8] + degp[nrow8:]).reshape(-1)[:n, None]
    h = _tc_layer1(agg1, deg, x, W1l, W1r, b1)
    agg2 = _make_sc_agg(n_pad, d, e)(h, src, dst, zeros)
    if isinstance(agg2, (list, tuple)):
        agg2 = agg2[0]
    out, ls = _tc_layer2(agg2, deg, h, W2l, W2r, b2)
    return (out, ls)

# --- scband reference (transcript-rebuilt; emitter-appended) ---
"""Pipeline reference for scband-graph-sage-46205258170447 (READ-ONLY COPY).

The authoritative reference and input builder live on the scoring server;
editing this copy changes nothing except your own understanding.
"""

import jax, jax.numpy as jnp
import numpy as np

N_NODES = 10000
N_EDGES = 320000
D_IN = 128
D_H = 128
D_OUT = 128


def setup_inputs(seed: int = 0) -> dict:
    key = jax.random.key(seed)
    ks = jax.random.split(key, 8)
    x = jax.random.normal(ks[0], (N_NODES, D_IN), dtype=jnp.float32)
    edge_index = jax.random.randint(ks[1], (2, N_EDGES), 0, N_NODES, dtype=jnp.int64)
    s1 = 1.0 / np.sqrt(D_IN)
    s2 = 1.0 / np.sqrt(D_H)
    W1l = jax.random.uniform(ks[2], (D_IN, D_H), dtype=jnp.float32, minval=-s1, maxval=s1)
    W1r = jax.random.uniform(ks[3], (D_IN, D_H), dtype=jnp.float32, minval=-s1, maxval=s1)
    b1 = jnp.zeros((D_H,), dtype=jnp.float32)
    W2l = jax.random.uniform(ks[4], (D_H, D_OUT), dtype=jnp.float32, minval=-s2, maxval=s2)
    W2r = jax.random.uniform(ks[5], (D_H, D_OUT), dtype=jnp.float32, minval=-s2, maxval=s2)
    b2 = jnp.zeros((D_OUT,), dtype=jnp.float32)
    return {"x": x, "edge_index": edge_index, "W1l": W1l, "W1r": W1r, "b1": b1, "W2l": W2l, "W2r": W2r, "b2": b2}


def _sage_conv(x, edge_index, Wl, Wr, b):
    # PyG SAGEConv with mean aggregation:
    # out_i = Wl @ mean_{j in N(i)} x_j + Wr @ x_i + b
    src = edge_index[0]
    dst = edge_index[1]
    msg = jnp.take(x, src, axis=0)                      # gather  [E, d]
    agg = jax.ops.segment_sum(msg, dst, num_segments=N_NODES)  # scatter-add [N, d]
    deg = jax.ops.segment_sum(jnp.ones((msg.shape[0],), dtype=x.dtype), dst, num_segments=N_NODES)
    mean = agg / jnp.clip(deg, 1.0, None)[:, None]
    return mean @ Wl + x @ Wr + b


def reference(x, edge_index, W1l, W1r, b1, W2l, W2r, b2):
    h = _sage_conv(x, edge_index, W1l, W1r, b1)
    h = jax.nn.relu(h)
    # dropout is identity in eval mode (training=False)
    h = _sage_conv(h, edge_index, W2l, W2r, b2)
    return (h, jax.nn.log_softmax(h, axis=1))

if __name__ == "__main__":
    import jax
    _d = setup_inputs()
    print(jax.jit(kernel)(*tuple(_d.values())))

</pallas_src>

<mosaic_0001>
#map = affine_map<(d0, d1) -> (0, 0)>
#map1 = affine_map<(d0, d1) -> (0)>
module attributes {stable_mosaic.version = 14 : i64} {
  func.func @body(%arg0: i32, %arg1: i32, %arg2: memref<10000x128xf32, #tpu.memory_space<hbm>>, %arg3: memref<320000xi32, #tpu.memory_space<hbm>>, %arg4: memref<320000xi32, #tpu.memory_space<hbm>>, %arg5: memref<10112x128xf32, #tpu.memory_space<hbm>>, %arg6: memref<20224x128xf32, #tpu.memory_space<hbm>>, %arg7: memref<80xi32, #tpu.memory_space<vmem>>, %arg8: memref<80xi32, #tpu.memory_space<vmem>>, %arg9: memref<80x128xf32, #tpu.memory_space<vmem>>, %arg10: memref<10112x128xf32, #tpu.memory_space<vmem_shared>>, %arg11: memref<!tpu.dma_semaphore, #tpu.memory_space<semaphore_mem>>) attributes {dimension_semantics = [#tpu.dimension_semantics<core_parallel>, #tpu.dimension_semantics<subcore_parallel>], iteration_bounds = array<i64: 2, 16>, scalar_prefetch = 0 : i64, scratch_operands = 5 : i64, tpu.core_type = #tpu.core_type<sc_vector_subcore>, window_params = [{transform_indices = #map}, {transform_indices = #map1}, {transform_indices = #map1}, {transform_indices = #map}, {transform_indices = #map}]} {
    %mul3A = arith.constant 16 : i32
    %mul3A_0 = arith.muli %arg0, %mul3A : i32
    %add3A = arith.addi %mul3A_0, %arg1 : i32
    %eq3A = arith.constant 0 : i32
    %eq3A_1 = arith.cmpi eq, %arg1, %eq3A : i32
    %convert_element_type3A = arith.extui %eq3A_1 : i1 to i32
    %cond3A = arith.constant 0 : i32
    %cond3A_2 = arith.cmpi ne, %convert_element_type3A, %cond3A : i32
    scf.if %cond3A_2 {
      "tpu.region"() ({
        %run_scoped3A = tpu.sem_alloc : memref<!tpu.dma_semaphore, #tpu.memory_space<semaphore_mem>>
        tpu.enqueue_dma source(%arg5 : memref<10112x128xf32, #tpu.memory_space<hbm>>) target(%arg10 : memref<10112x128xf32, #tpu.memory_space<vmem_shared>>) target_semaphore(%run_scoped3A : memref<!tpu.dma_semaphore, #tpu.memory_space<semaphore_mem>>)
        tpu.wait_dma2 semaphore(%run_scoped3A : memref<!tpu.dma_semaphore, #tpu.memory_space<semaphore_mem>>) src(%arg5 : memref<10112x128xf32, #tpu.memory_space<hbm>>) dst(%arg10 : memref<10112x128xf32, #tpu.memory_space<vmem_shared>>)
        tpu.yield
      }) : () -> ()
    } else {
    }
    %barrier3A = arith.constant 0 : index
    tpu.barrier barrier_id(%barrier3A)
    %mul3A_3 = arith.constant 10000 : i32
    %mul3A_4 = arith.muli %add3A, %mul3A_3 : i32
    %scan3A = arith.constant 0 : i32
    %scan3A_5 = arith.constant 125 : i32
    %scan3A_6 = arith.addi %scan3A, %scan3A_5 : i32
    %scan3A_7 = arith.constant 1 : i32
    scf.for %scan3A_15 = %scan3A to %scan3A_6 step %scan3A_7  : i32 {
      %mul3A_16 = arith.constant 1 : i32
      %mul3A_17 = arith.muli %scan3A_15, %mul3A_16 : i32
      %add3A_18 = arith.constant 0 : i32
      %add3A_19 = arith.addi %add3A_18, %mul3A_17 : i32
      %mul3A_20 = arith.constant 80 : i32
      %mul3A_21 = arith.muli %add3A_19, %mul3A_20 : i32
      %add3A_22 = arith.addi %mul3A_4, %mul3A_21 : i32
      "tpu.region"() ({
        %run_scoped3A = tpu.sem_alloc : memref<!tpu.dma_semaphore, #tpu.memory_space<semaphore_mem>>
        %dma_start3A_27 = tpu.memref_slice %arg3[%add3A_22] : memref<320000xi32, #tpu.memory_space<hbm>> -> memref<80xi32, #tpu.memory_space<hbm>>
        %dma_start3A_28 = tpu.memref_slice %arg3[%add3A_22] : memref<320000xi32, #tpu.memory_space<hbm>> -> memref<80xi32, #tpu.memory_space<hbm>>
        tpu.enqueue_dma source(%dma_start3A_28 : memref<80xi32, #tpu.memory_space<hbm>>) target(%arg7 : memref<80xi32, #tpu.memory_space<vmem>>) target_semaphore(%run_scoped3A : memref<!tpu.dma_semaphore, #tpu.memory_space<semaphore_mem>>)
        %dma_wait3A_29 = tpu.memref_slice %arg3[%add3A_22] : memref<320000xi32, #tpu.memory_space<hbm>> -> memref<80xi32, #tpu.memory_space<hbm>>
        %dma_wait3A_30 = tpu.memref_slice %arg3[%add3A_22] : memref<320000xi32, #tpu.memory_space<hbm>> -> memref<80xi32, #tpu.memory_space<hbm>>
        tpu.wait_dma2 semaphore(%run_scoped3A : memref<!tpu.dma_semaphore, #tpu.memory_space<semaphore_mem>>) src(%dma_wait3A_30 : memref<80xi32, #tpu.memory_space<hbm>>) dst(%arg7 : memref<80xi32, #tpu.memory_space<vmem>>)
        tpu.yield
      }) : () -> ()
      "tpu.region"() ({
        %run_scoped3A = tpu.sem_alloc : memref<!tpu.dma_semaphore, #tpu.memory_space<semaphore_mem>>
        %dma_start3A_27 = tpu.memref_slice %arg4[%add3A_22] : memref<320000xi32, #tpu.memory_space<hbm>> -> memref<80xi32, #tpu.memory_space<hbm>>
        %dma_start3A_28 = tpu.memref_slice %arg4[%add3A_22] : memref<320000xi32, #tpu.memory_space<hbm>> -> memref<80xi32, #tpu.memory_space<hbm>>
        tpu.enqueue_dma source(%dma_start3A_28 : memref<80xi32, #tpu.memory_space<hbm>>) target(%arg8 : memref<80xi32, #tpu.memory_space<vmem>>) target_semaphore(%run_scoped3A : memref<!tpu.dma_semaphore, #tpu.memory_space<semaphore_mem>>)
        %dma_wait3A_29 = tpu.memref_slice %arg4[%add3A_22] : memref<320000xi32, #tpu.memory_space<hbm>> -> memref<80xi32, #tpu.memory_space<hbm>>
        %dma_wait3A_30 = tpu.memref_slice %arg4[%add3A_22] : memref<320000xi32, #tpu.memory_space<hbm>> -> memref<80xi32, #tpu.memory_space<hbm>>
        tpu.wait_dma2 semaphore(%run_scoped3A : memref<!tpu.dma_semaphore, #tpu.memory_space<semaphore_mem>>) src(%dma_wait3A_30 : memref<80xi32, #tpu.memory_space<hbm>>) dst(%arg8 : memref<80xi32, #tpu.memory_space<vmem>>)
        tpu.yield
      }) : () -> ()
      %dma_start3A = arith.constant 0 : i32
      %dma_start3A_23 = arith.constant 0 : i32
      %dma_start3A_24 = tpu.memref_slice %arg2[%dma_start3A, %dma_start3A_23] : memref<10000x128xf32, #tpu.memory_space<hbm>> -> memref<10000x128xf32, #tpu.memory_space<hbm>>
      tpu.enqueue_indirect_dma source(%dma_start3A_24 : memref<10000x128xf32, #tpu.memory_space<hbm>>) target(%arg9 : memref<80x128xf32, #tpu.memory_space<vmem>>) offsets(%arg7 : memref<80xi32, #tpu.memory_space<vmem>>) semaphore(%arg11 : memref<!tpu.dma_semaphore, #tpu.memory_space<semaphore_mem>>)
      %dma_wait3A = arith.constant 0 : i32
      %dma_wait3A_25 = arith.constant 0 : i32
      %dma_wait3A_26 = tpu.memref_slice %arg2[%dma_wait3A, %dma_wait3A_25] : memref<10000x128xf32, #tpu.memory_space<hbm>> -> memref<10000x128xf32, #tpu.memory_space<hbm>>
      tpu.wait_indirect_dma semaphore(%arg11 : memref<!tpu.dma_semaphore, #tpu.memory_space<semaphore_mem>>) src(%dma_wait3A_26 : memref<10000x128xf32, #tpu.memory_space<hbm>>) dst(%arg9 : memref<80x128xf32, #tpu.memory_space<vmem>>)
      "tpu.region"() ({
        %run_scoped3A = tpu.sem_alloc : memref<!tpu.dma_semaphore, #tpu.memory_space<semaphore_mem>>
        %dma_start3A_27 = arith.constant 0 : i32
        %dma_start3A_28 = arith.constant 0 : i32
        %dma_start3A_29 = tpu.memref_slice %arg10[%dma_start3A_27, %dma_start3A_28] : memref<10112x128xf32, #tpu.memory_space<vmem_shared>> -> memref<10112x128xf32, #tpu.memory_space<vmem_shared>>
        tpu.enqueue_indirect_dma source(%arg9 : memref<80x128xf32, #tpu.memory_space<vmem>>) target(%dma_start3A_29 : memref<10112x128xf32, #tpu.memory_space<vmem_shared>>) offsets(%arg8 : memref<80xi32, #tpu.memory_space<vmem>>) semaphore(%run_scoped3A : memref<!tpu.dma_semaphore, #tpu.memory_space<semaphore_mem>>) {add = true}
        %dma_wait3A_30 = arith.constant 0 : i32
        %dma_wait3A_31 = arith.constant 0 : i32
        %dma_wait3A_32 = tpu.memref_slice %arg10[%dma_wait3A_30, %dma_wait3A_31] : memref<10112x128xf32, #tpu.memory_space<vmem_shared>> -> memref<10112x128xf32, #tpu.memory_space<vmem_shared>>
        tpu.wait_indirect_dma semaphore(%run_scoped3A : memref<!tpu.dma_semaphore, #tpu.memory_space<semaphore_mem>>) src(%arg9 : memref<80x128xf32, #tpu.memory_space<vmem>>) dst(%dma_wait3A_32 : memref<10112x128xf32, #tpu.memory_space<vmem_shared>>)
        tpu.yield
      }) : () -> ()
    }
    %scan3A_8 = arith.constant 125 : i32
    %barrier3A_9 = arith.constant 0 : index
    tpu.barrier barrier_id(%barrier3A_9)
    %eq3A_10 = arith.constant 0 : i32
    %eq3A_11 = arith.cmpi eq, %arg1, %eq3A_10 : i32
    %convert_element_type3A_12 = arith.extui %eq3A_11 : i1 to i32
    %cond3A_13 = arith.constant 0 : i32
    %cond3A_14 = arith.cmpi ne, %convert_element_type3A_12, %cond3A_13 : i32
    scf.if %cond3A_14 {
      %mul3A_15 = arith.constant 10112 : i32
      %mul3A_16 = arith.muli %arg0, %mul3A_15 : i32
      "tpu.region"() ({
        %run_scoped3A = tpu.sem_alloc : memref<!tpu.dma_semaphore, #tpu.memory_space<semaphore_mem>>
        %dma_start3A = arith.constant 0 : i32
        %dma_start3A_17 = tpu.memref_slice %arg6[%mul3A_16, %dma_start3A] : memref<20224x128xf32, #tpu.memory_space<hbm>> -> memref<10112x128xf32, #tpu.memory_space<hbm>>
        tpu.enqueue_dma source(%arg10 : memref<10112x128xf32, #tpu.memory_space<vmem_shared>>) target(%dma_start3A_17 : memref<10112x128xf32, #tpu.memory_space<hbm>>) target_semaphore(%run_scoped3A : memref<!tpu.dma_semaphore, #tpu.memory_space<semaphore_mem>>)
        %dma_wait3A = arith.constant 0 : i32
        %dma_wait3A_18 = tpu.memref_slice %arg6[%mul3A_16, %dma_wait3A] : memref<20224x128xf32, #tpu.memory_space<hbm>> -> memref<10112x128xf32, #tpu.memory_space<hbm>>
        tpu.wait_dma2 semaphore(%run_scoped3A : memref<!tpu.dma_semaphore, #tpu.memory_space<semaphore_mem>>) src(%arg10 : memref<10112x128xf32, #tpu.memory_space<vmem_shared>>) dst(%dma_wait3A_18 : memref<10112x128xf32, #tpu.memory_space<hbm>>)
        tpu.yield
      }) : () -> ()
    } else {
    }
    return
  }
}

#map = affine_map<(d0, d1) -> (0, 0)>
#map1 = affine_map<(d0, d1) -> (0)>
module attributes {stable_mosaic.version = 14 : i64} {
  func.func @body(%arg0: i32, %arg1: i32, %arg2: memref<10000x128xf32, #tpu.memory_space<hbm>>, %arg3: memref<320000xi32, #tpu.memory_space<hbm>>, %arg4: memref<320000xi32, #tpu.memory_space<hbm>>, %arg5: memref<10112x128xf32, #tpu.memory_space<hbm>>, %arg6: memref<80xi32, #tpu.memory_space<hbm>>, %arg7: memref<20224x128xf32, #tpu.memory_space<hbm>>, %arg8: memref<160x128xf32, #tpu.memory_space<hbm>>, %arg9: memref<80xi32, #tpu.memory_space<vmem>>, %arg10: memref<80xi32, #tpu.memory_space<vmem>>, %arg11: memref<80x128xf32, #tpu.memory_space<vmem>>, %arg12: memref<10112x128xf32, #tpu.memory_space<vmem_shared>>, %arg13: memref<!tpu.dma_semaphore, #tpu.memory_space<semaphore_mem>>, %arg14: memref<80x128xf32, #tpu.memory_space<vmem>>, %arg15: memref<80xi32, #tpu.memory_space<vmem>>, %arg16: memref<80x128xf32, #tpu.memory_space<vmem_shared>>) attributes {dimension_semantics = [#tpu.dimension_semantics<core_parallel>, #tpu.dimension_semantics<subcore_parallel>], iteration_bounds = array<i64: 2, 16>, scalar_prefetch = 0 : i64, scratch_operands = 8 : i64, tpu.core_type = #tpu.core_type<sc_vector_subcore>, window_params = [{transform_indices = #map}, {transform_indices = #map1}, {transform_indices = #map1}, {transform_indices = #map}, {transform_indices = #map1}, {transform_indices = #map}, {transform_indices = #map}]} {
    %mul3A = arith.constant 16 : i32
    %mul3A_0 = arith.muli %arg0, %mul3A : i32
    %add3A = arith.addi %mul3A_0, %arg1 : i32
    %eq3A = arith.constant 0 : i32
    %eq3A_1 = arith.cmpi eq, %arg1, %eq3A : i32
    %convert_element_type3A = arith.extui %eq3A_1 : i1 to i32
    %cond3A = arith.constant 0 : i32
    %cond3A_2 = arith.cmpi ne, %convert_element_type3A, %cond3A : i32
    scf.if %cond3A_2 {
      "tpu.region"() ({
        %run_scoped3A = tpu.sem_alloc : memref<!tpu.dma_semaphore, #tpu.memory_space<semaphore_mem>>
        tpu.enqueue_dma source(%arg5 : memref<10112x128xf32, #tpu.memory_space<hbm>>) target(%arg12 : memref<10112x128xf32, #tpu.memory_space<vmem_shared>>) target_semaphore(%run_scoped3A : memref<!tpu.dma_semaphore, #tpu.memory_space<semaphore_mem>>)
        tpu.wait_dma2 semaphore(%run_scoped3A : memref<!tpu.dma_semaphore, #tpu.memory_space<semaphore_mem>>) src(%arg5 : memref<10112x128xf32, #tpu.memory_space<hbm>>) dst(%arg12 : memref<10112x128xf32, #tpu.memory_space<vmem_shared>>)
        tpu.yield
      }) : () -> ()
      "tpu.region"() ({
        %run_scoped3A = tpu.sem_alloc : memref<!tpu.dma_semaphore, #tpu.memory_space<semaphore_mem>>
        %dma_start3A = arith.constant 0 : i32
        %dma_start3A_15 = arith.constant 0 : i32
        %dma_start3A_16 = tpu.memref_slice %arg5[%dma_start3A, %dma_start3A_15] : memref<10112x128xf32, #tpu.memory_space<hbm>> -> memref<80x128xf32, #tpu.memory_space<hbm>>
        tpu.enqueue_dma source(%dma_start3A_16 : memref<80x128xf32, #tpu.memory_space<hbm>>) target(%arg16 : memref<80x128xf32, #tpu.memory_space<vmem_shared>>) target_semaphore(%run_scoped3A : memref<!tpu.dma_semaphore, #tpu.memory_space<semaphore_mem>>)
        %dma_wait3A = arith.constant 0 : i32
        %dma_wait3A_17 = arith.constant 0 : i32
        %dma_wait3A_18 = tpu.memref_slice %arg5[%dma_wait3A, %dma_wait3A_17] : memref<10112x128xf32, #tpu.memory_space<hbm>> -> memref<80x128xf32, #tpu.memory_space<hbm>>
        tpu.wait_dma2 semaphore(%run_scoped3A : memref<!tpu.dma_semaphore, #tpu.memory_space<semaphore_mem>>) src(%dma_wait3A_18 : memref<80x128xf32, #tpu.memory_space<hbm>>) dst(%arg16 : memref<80x128xf32, #tpu.memory_space<vmem_shared>>)
        tpu.yield
      }) : () -> ()
    } else {
    }
    "tpu.region"() ({
      %run_scoped3A = tpu.sem_alloc : memref<!tpu.dma_semaphore, #tpu.memory_space<semaphore_mem>>
      %dma_start3A = arith.constant 0 : i32
      %dma_start3A_15 = arith.constant 0 : i32
      %dma_start3A_16 = tpu.memref_slice %arg5[%dma_start3A, %dma_start3A_15] : memref<10112x128xf32, #tpu.memory_space<hbm>> -> memref<80x128xf32, #tpu.memory_space<hbm>>
      %dma_start3A_17 = arith.constant 0 : i32
      %dma_start3A_18 = arith.constant 0 : i32
      %dma_start3A_19 = tpu.memref_slice %arg5[%dma_start3A_17, %dma_start3A_18] : memref<10112x128xf32, #tpu.memory_space<hbm>> -> memref<80x128xf32, #tpu.memory_space<hbm>>
      tpu.enqueue_dma source(%dma_start3A_19 : memref<80x128xf32, #tpu.memory_space<hbm>>) target(%arg14 : memref<80x128xf32, #tpu.memory_space<vmem>>) target_semaphore(%run_scoped3A : memref<!tpu.dma_semaphore, #tpu.memory_space<semaphore_mem>>)
      %dma_wait3A = arith.constant 0 : i32
      %dma_wait3A_20 = arith.constant 0 : i32
      %dma_wait3A_21 = tpu.memref_slice %arg5[%dma_wait3A, %dma_wait3A_20] : memref<10112x128xf32, #tpu.memory_space<hbm>> -> memref<80x128xf32, #tpu.memory_space<hbm>>
      %dma_wait3A_22 = arith.constant 0 : i32
      %dma_wait3A_23 = arith.constant 0 : i32
      %dma_wait3A_24 = tpu.memref_slice %arg5[%dma_wait3A_22, %dma_wait3A_23] : memref<10112x128xf32, #tpu.memory_space<hbm>> -> memref<80x128xf32, #tpu.memory_space<hbm>>
      tpu.wait_dma2 semaphore(%run_scoped3A : memref<!tpu.dma_semaphore, #tpu.memory_space<semaphore_mem>>) src(%dma_wait3A_24 : memref<80x128xf32, #tpu.memory_space<hbm>>) dst(%arg14 : memref<80x128xf32, #tpu.memory_space<vmem>>)
      tpu.yield
    }) : () -> ()
    "tpu.region"() ({
      %run_scoped3A = tpu.sem_alloc : memref<!tpu.dma_semaphore, #tpu.memory_space<semaphore_mem>>
      tpu.enqueue_dma source(%arg6 : memref<80xi32, #tpu.memory_space<hbm>>) target(%arg15 : memref<80xi32, #tpu.memory_space<vmem>>) target_semaphore(%run_scoped3A : memref<!tpu.dma_semaphore, #tpu.memory_space<semaphore_mem>>)
      tpu.wait_dma2 semaphore(%run_scoped3A : memref<!tpu.dma_semaphore, #tpu.memory_space<semaphore_mem>>) src(%arg6 : memref<80xi32, #tpu.memory_space<hbm>>) dst(%arg15 : memref<80xi32, #tpu.memory_space<vmem>>)
      tpu.yield
    }) : () -> ()
    %barrier3A = arith.constant 0 : index
    tpu.barrier barrier_id(%barrier3A)
    %mul3A_3 = arith.constant 10000 : i32
    %mul3A_4 = arith.muli %add3A, %mul3A_3 : i32
    %scan3A = arith.constant 0 : i32
    %scan3A_5 = arith.constant 125 : i32
    %scan3A_6 = arith.addi %scan3A, %scan3A_5 : i32
    %scan3A_7 = arith.constant 1 : i32
    scf.for %scan3A_15 = %scan3A to %scan3A_6 step %scan3A_7  : i32 {
      %mul3A_16 = arith.constant 1 : i32
      %mul3A_17 = arith.muli %scan3A_15, %mul3A_16 : i32
      %add3A_18 = arith.constant 0 : i32
      %add3A_19 = arith.addi %add3A_18, %mul3A_17 : i32
      %mul3A_20 = arith.constant 80 : i32
      %mul3A_21 = arith.muli %add3A_19, %mul3A_20 : i32
      %add3A_22 = arith.addi %mul3A_4, %mul3A_21 : i32
      "tpu.region"() ({
        %run_scoped3A = tpu.sem_alloc : memref<!tpu.dma_semaphore, #tpu.memory_space<semaphore_mem>>
        %dma_start3A_73 = tpu.memref_slice %arg3[%add3A_22] : memref<320000xi32, #tpu.memory_space<hbm>> -> memref<80xi32, #tpu.memory_space<hbm>>
        %dma_start3A_74 = tpu.memref_slice %arg3[%add3A_22] : memref<320000xi32, #tpu.memory_space<hbm>> -> memref<80xi32, #tpu.memory_space<hbm>>
        tpu.enqueue_dma source(%dma_start3A_74 : memref<80xi32, #tpu.memory_space<hbm>>) target(%arg9 : memref<80xi32, #tpu.memory_space<vmem>>) target_semaphore(%run_scoped3A : memref<!tpu.dma_semaphore, #tpu.memory_space<semaphore_mem>>)
        %dma_wait3A_75 = tpu.memref_slice %arg3[%add3A_22] : memref<320000xi32, #tpu.memory_space<hbm>> -> memref<80xi32, #tpu.memory_space<hbm>>
        %dma_wait3A_76 = tpu.memref_slice %arg3[%add3A_22] : memref<320000xi32, #tpu.memory_space<hbm>> -> memref<80xi32, #tpu.memory_space<hbm>>
        tpu.wait_dma2 semaphore(%run_scoped3A : memref<!tpu.dma_semaphore, #tpu.memory_space<semaphore_mem>>) src(%dma_wait3A_76 : memref<80xi32, #tpu.memory_space<hbm>>) dst(%arg9 : memref<80xi32, #tpu.memory_space<vmem>>)
        tpu.yield
      }) : () -> ()
      "tpu.region"() ({
        %run_scoped3A = tpu.sem_alloc : memref<!tpu.dma_semaphore, #tpu.memory_space<semaphore_mem>>
        %dma_start3A_73 = tpu.memref_slice %arg4[%add3A_22] : memref<320000xi32, #tpu.memory_space<hbm>> -> memref<80xi32, #tpu.memory_space<hbm>>
        %dma_start3A_74 = tpu.memref_slice %arg4[%add3A_22] : memref<320000xi32, #tpu.memory_space<hbm>> -> memref<80xi32, #tpu.memory_space<hbm>>
        tpu.enqueue_dma source(%dma_start3A_74 : memref<80xi32, #tpu.memory_space<hbm>>) target(%arg10 : memref<80xi32, #tpu.memory_space<vmem>>) target_semaphore(%run_scoped3A : memref<!tpu.dma_semaphore, #tpu.memory_space<semaphore_mem>>)
        %dma_wait3A_75 = tpu.memref_slice %arg4[%add3A_22] : memref<320000xi32, #tpu.memory_space<hbm>> -> memref<80xi32, #tpu.memory_space<hbm>>
        %dma_wait3A_76 = tpu.memref_slice %arg4[%add3A_22] : memref<320000xi32, #tpu.memory_space<hbm>> -> memref<80xi32, #tpu.memory_space<hbm>>
        tpu.wait_dma2 semaphore(%run_scoped3A : memref<!tpu.dma_semaphore, #tpu.memory_space<semaphore_mem>>) src(%dma_wait3A_76 : memref<80xi32, #tpu.memory_space<hbm>>) dst(%arg10 : memref<80xi32, #tpu.memory_space<vmem>>)
        tpu.yield
      }) : () -> ()
      %dma_start3A = arith.constant 0 : i32
      %dma_start3A_23 = arith.constant 0 : i32
      %dma_start3A_24 = tpu.memref_slice %arg2[%dma_start3A, %dma_start3A_23] : memref<10000x128xf32, #tpu.memory_space<hbm>> -> memref<10000x128xf32, #tpu.memory_space<hbm>>
      tpu.enqueue_indirect_dma source(%dma_start3A_24 : memref<10000x128xf32, #tpu.memory_space<hbm>>) target(%arg11 : memref<80x128xf32, #tpu.memory_space<vmem>>) offsets(%arg9 : memref<80xi32, #tpu.memory_space<vmem>>) semaphore(%arg13 : memref<!tpu.dma_semaphore, #tpu.memory_space<semaphore_mem>>)
      %get3A = arith.constant 0 : index
      %get3A_25 = tpu.vector_load %arg10[%get3A] {strides = array<i32>} : memref<80xi32, #tpu.memory_space<vmem>>, vector<16xi32>,
      %shift_right_logical3A = arith.constant 7 : i32
      %shift_right_logical3A_26 = vector.broadcast %shift_right_logical3A : i32 to vector<16xi32>
      %shift_right_logical3A_27 = arith.shrui %get3A_25, %shift_right_logical3A_26 : vector<16xi32>
      %and3A = arith.constant 127 : i32
      %and3A_28 = vector.broadcast %and3A : i32 to vector<16xi32>
      %and3A_29 = arith.andi %get3A_25, %and3A_28 : vector<16xi32>
      %broadcast_in_dim3A = arith.constant 1.000000e+00 : f32
      %broadcast_in_dim3A_30 = vector.broadcast %broadcast_in_dim3A : f32 to vector<16xf32>
      tpu.vector_store_idx %arg14[%shift_right_logical3A_27, %and3A_29], %broadcast_in_dim3A_30 {add = true} : memref<80x128xf32, #tpu.memory_space<vmem>>[vector<16xi32>, vector<16xi32>], vector<16xf32>,
      %get3A_31 = arith.constant 16 : index
      %get3A_32 = tpu.vector_load %arg10[%get3A_31] {strides = array<i32>} : memref<80xi32, #tpu.memory_space<vmem>>, vector<16xi32>,
      %shift_right_logical3A_33 = arith.constant 7 : i32
      %shift_right_logical3A_34 = vector.broadcast %shift_right_logical3A_33 : i32 to vector<16xi32>
      %shift_right_logical3A_35 = arith.shrui %get3A_32, %shift_right_logical3A_34 : vector<16xi32>
      %and3A_36 = arith.constant 127 : i32
      %and3A_37 = vector.broadcast %and3A_36 : i32 to vector<16xi32>
      %and3A_38 = arith.andi %get3A_32, %and3A_37 : vector<16xi32>
      %broadcast_in_dim3A_39 = arith.constant 1.000000e+00 : f32
      %broadcast_in_dim3A_40 = vector.broadcast %broadcast_in_dim3A_39 : f32 to vector<16xf32>
      tpu.vector_store_idx %arg14[%shift_right_logical3A_35, %and3A_38], %broadcast_in_dim3A_40 {add = true} : memref<80x128xf32, #tpu.memory_space<vmem>>[vector<16xi32>, vector<16xi32>], vector<16xf32>,
      %get3A_41 = arith.constant 32 : index
      %get3A_42 = tpu.vector_load %arg10[%get3A_41] {strides = array<i32>} : memref<80xi32, #tpu.memory_space<vmem>>, vector<16xi32>,
      %shift_right_logical3A_43 = arith.constant 7 : i32
      %shift_right_logical3A_44 = vector.broadcast %shift_right_logical3A_43 : i32 to vector<16xi32>
      %shift_right_logical3A_45 = arith.shrui %get3A_42, %shift_right_logical3A_44 : vector<16xi32>
      %and3A_46 = arith.constant 127 : i32
      %and3A_47 = vector.broadcast %and3A_46 : i32 to vector<16xi32>
      %and3A_48 = arith.andi %get3A_42, %and3A_47 : vector<16xi32>
      %broadcast_in_dim3A_49 = arith.constant 1.000000e+00 : f32
      %broadcast_in_dim3A_50 = vector.broadcast %broadcast_in_dim3A_49 : f32 to vector<16xf32>
      tpu.vector_store_idx %arg14[%shift_right_logical3A_45, %and3A_48], %broadcast_in_dim3A_50 {add = true} : memref<80x128xf32, #tpu.memory_space<vmem>>[vector<16xi32>, vector<16xi32>], vector<16xf32>,
      %get3A_51 = arith.constant 48 : index
      %get3A_52 = tpu.vector_load %arg10[%get3A_51] {strides = array<i32>} : memref<80xi32, #tpu.memory_space<vmem>>, vector<16xi32>,
      %shift_right_logical3A_53 = arith.constant 7 : i32
      %shift_right_logical3A_54 = vector.broadcast %shift_right_logical3A_53 : i32 to vector<16xi32>
      %shift_right_logical3A_55 = arith.shrui %get3A_52, %shift_right_logical3A_54 : vector<16xi32>
      %and3A_56 = arith.constant 127 : i32
      %and3A_57 = vector.broadcast %and3A_56 : i32 to vector<16xi32>
      %and3A_58 = arith.andi %get3A_52, %and3A_57 : vector<16xi32>
      %broadcast_in_dim3A_59 = arith.constant 1.000000e+00 : f32
      %broadcast_in_dim3A_60 = vector.broadcast %broadcast_in_dim3A_59 : f32 to vector<16xf32>
      tpu.vector_store_idx %arg14[%shift_right_logical3A_55, %and3A_58], %broadcast_in_dim3A_60 {add = true} : memref<80x128xf32, #tpu.memory_space<vmem>>[vector<16xi32>, vector<16xi32>], vector<16xf32>,
      %get3A_61 = arith.constant 64 : index
      %get3A_62 = tpu.vector_load %arg10[%get3A_61] {strides = array<i32>} : memref<80xi32, #tpu.memory_space<vmem>>, vector<16xi32>,
      %shift_right_logical3A_63 = arith.constant 7 : i32
      %shift_right_logical3A_64 = vector.broadcast %shift_right_logical3A_63 : i32 to vector<16xi32>
      %shift_right_logical3A_65 = arith.shrui %get3A_62, %shift_right_logical3A_64 : vector<16xi32>
      %and3A_66 = arith.constant 127 : i32
      %and3A_67 = vector.broadcast %and3A_66 : i32 to vector<16xi32>
      %and3A_68 = arith.andi %get3A_62, %and3A_67 : vector<16xi32>
      %broadcast_in_dim3A_69 = arith.constant 1.000000e+00 : f32
      %broadcast_in_dim3A_70 = vector.broadcast %broadcast_in_dim3A_69 : f32 to vector<16xf32>
      tpu.vector_store_idx %arg14[%shift_right_logical3A_65, %and3A_68], %broadcast_in_dim3A_70 {add = true} : memref<80x128xf32, #tpu.memory_space<vmem>>[vector<16xi32>, vector<16xi32>], vector<16xf32>,
      %dma_wait3A = arith.constant 0 : i32
      %dma_wait3A_71 = arith.constant 0 : i32
      %dma_wait3A_72 = tpu.memref_slice %arg2[%dma_wait3A, %dma_wait3A_71] : memref<10000x128xf32, #tpu.memory_space<hbm>> -> memref<10000x128xf32, #tpu.memory_space<hbm>>
      tpu.wait_indirect_dma semaphore(%arg13 : memref<!tpu.dma_semaphore, #tpu.memory_space<semaphore_mem>>) src(%dma_wait3A_72 : memref<10000x128xf32, #tpu.memory_space<hbm>>) dst(%arg11 : memref<80x128xf32, #tpu.memory_space<vmem>>)
      "tpu.region"() ({
        %run_scoped3A = tpu.sem_alloc : memref<!tpu.dma_semaphore, #tpu.memory_space<semaphore_mem>>
        %dma_start3A_73 = arith.constant 0 : i32
        %dma_start3A_74 = arith.constant 0 : i32
        %dma_start3A_75 = tpu.memref_slice %arg12[%dma_start3A_73, %dma_start3A_74] : memref<10112x128xf32, #tpu.memory_space<vmem_shared>> -> memref<10112x128xf32, #tpu.memory_space<vmem_shared>>
        tpu.enqueue_indirect_dma source(%arg11 : memref<80x128xf32, #tpu.memory_space<vmem>>) target(%dma_start3A_75 : memref<10112x128xf32, #tpu.memory_space<vmem_shared>>) offsets(%arg10 : memref<80xi32, #tpu.memory_space<vmem>>) semaphore(%run_scoped3A : memref<!tpu.dma_semaphore, #tpu.memory_space<semaphore_mem>>) {add = true}
        %dma_wait3A_76 = arith.constant 0 : i32
        %dma_wait3A_77 = arith.constant 0 : i32
        %dma_wait3A_78 = tpu.memref_slice %arg12[%dma_wait3A_76, %dma_wait3A_77] : memref<10112x128xf32, #tpu.memory_space<vmem_shared>> -> memref<10112x128xf32, #tpu.memory_space<vmem_shared>>
        tpu.wait_indirect_dma semaphore(%run_scoped3A : memref<!tpu.dma_semaphore, #tpu.memory_space<semaphore_mem>>) src(%arg11 : memref<80x128xf32, #tpu.memory_space<vmem>>) dst(%dma_wait3A_78 : memref<10112x128xf32, #tpu.memory_space<vmem_shared>>)
        tpu.yield
      }) : () -> ()
    }
    %scan3A_8 = arith.constant 125 : i32
    "tpu.region"() ({
      %run_scoped3A = tpu.sem_alloc : memref<!tpu.dma_semaphore, #tpu.memory_space<semaphore_mem>>
      %dma_start3A = arith.constant 0 : i32
      %dma_start3A_15 = arith.constant 0 : i32
      %dma_start3A_16 = tpu.memref_slice %arg16[%dma_start3A, %dma_start3A_15] : memref<80x128xf32, #tpu.memory_space<vmem_shared>> -> memref<80x128xf32, #tpu.memory_space<vmem_shared>>
      tpu.enqueue_indirect_dma source(%arg14 : memref<80x128xf32, #tpu.memory_space<vmem>>) target(%dma_start3A_16 : memref<80x128xf32, #tpu.memory_space<vmem_shared>>) offsets(%arg15 : memref<80xi32, #tpu.memory_space<vmem>>) semaphore(%run_scoped3A : memref<!tpu.dma_semaphore, #tpu.memory_space<semaphore_mem>>) {add = true}
      %dma_wait3A = arith.constant 0 : i32
      %dma_wait3A_17 = arith.constant 0 : i32
      %dma_wait3A_18 = tpu.memref_slice %arg16[%dma_wait3A, %dma_wait3A_17] : memref<80x128xf32, #tpu.memory_space<vmem_shared>> -> memref<80x128xf32, #tpu.memory_space<vmem_shared>>
      tpu.wait_indirect_dma semaphore(%run_scoped3A : memref<!tpu.dma_semaphore, #tpu.memory_space<semaphore_mem>>) src(%arg14 : memref<80x128xf32, #tpu.memory_space<vmem>>) dst(%dma_wait3A_18 : memref<80x128xf32, #tpu.memory_space<vmem_shared>>)
      tpu.yield
    }) : () -> ()
    %barrier3A_9 = arith.constant 0 : index
    tpu.barrier barrier_id(%barrier3A_9)
    %eq3A_10 = arith.constant 0 : i32
    %eq3A_11 = arith.cmpi eq, %arg1, %eq3A_10 : i32
    %convert_element_type3A_12 = arith.extui %eq3A_11 : i1 to i32
    %cond3A_13 = arith.constant 0 : i32
    %cond3A_14 = arith.cmpi ne, %convert_element_type3A_12, %cond3A_13 : i32
    scf.if %cond3A_14 {
      %mul3A_15 = arith.constant 10112 : i32
      %mul3A_16 = arith.muli %arg0, %mul3A_15 : i32
      "tpu.region"() ({
        %run_scoped3A = tpu.sem_alloc : memref<!tpu.dma_semaphore, #tpu.memory_space<semaphore_mem>>
        %dma_start3A = arith.constant 0 : i32
        %dma_start3A_19 = tpu.memref_slice %arg7[%mul3A_16, %dma_start3A] : memref<20224x128xf32, #tpu.memory_space<hbm>> -> memref<10112x128xf32, #tpu.memory_space<hbm>>
        tpu.enqueue_dma source(%arg12 : memref<10112x128xf32, #tpu.memory_space<vmem_shared>>) target(%dma_start3A_19 : memref<10112x128xf32, #tpu.memory_space<hbm>>) target_semaphore(%run_scoped3A : memref<!tpu.dma_semaphore, #tpu.memory_space<semaphore_mem>>)
        %dma_wait3A = arith.constant 0 : i32
        %dma_wait3A_20 = tpu.memref_slice %arg7[%mul3A_16, %dma_wait3A] : memref<20224x128xf32, #tpu.memory_space<hbm>> -> memref<10112x128xf32, #tpu.memory_space<hbm>>
        tpu.wait_dma2 semaphore(%run_scoped3A : memref<!tpu.dma_semaphore, #tpu.memory_space<semaphore_mem>>) src(%arg12 : memref<10112x128xf32, #tpu.memory_space<vmem_shared>>) dst(%dma_wait3A_20 : memref<10112x128xf32, #tpu.memory_space<hbm>>)
        tpu.yield
      }) : () -> ()
      %mul3A_17 = arith.constant 80 : i32
      %mul3A_18 = arith.muli %arg0, %mul3A_17 : i32
      "tpu.region"() ({
        %run_scoped3A = tpu.sem_alloc : memref<!tpu.dma_semaphore, #tpu.memory_space<semaphore_mem>>
        %dma_start3A = arith.constant 0 : i32
        %dma_start3A_19 = tpu.memref_slice %arg8[%mul3A_18, %dma_start3A] : memref<160x128xf32, #tpu.memory_space<hbm>> -> memref<80x128xf32, #tpu.memory_space<hbm>>
        tpu.enqueue_dma source(%arg16 : memref<80x128xf32, #tpu.memory_space<vmem_shared>>) target(%dma_start3A_19 : memref<80x128xf32, #tpu.memory_space<hbm>>) target_semaphore(%run_scoped3A : memref<!tpu.dma_semaphore, #tpu.memory_space<semaphore_mem>>)
        %dma_wait3A = arith.constant 0 : i32
        %dma_wait3A_20 = tpu.memref_slice %arg8[%mul3A_18, %dma_wait3A] : memref<160x128xf32, #tpu.memory_space<hbm>> -> memref<80x128xf32, #tpu.memory_space<hbm>>
        tpu.wait_dma2 semaphore(%run_scoped3A : memref<!tpu.dma_semaphore, #tpu.memory_space<semaphore_mem>>) src(%arg16 : memref<80x128xf32, #tpu.memory_space<vmem_shared>>) dst(%dma_wait3A_20 : memref<80x128xf32, #tpu.memory_space<hbm>>)
        tpu.yield
      }) : () -> ()
    } else {
    }
    return
  }
}

module attributes {stable_mosaic.version = 14 : i64} {
  func.func @body(%arg0: memref<20224x128xf32, #tpu.memory_space<vmem>>, %arg1: memref<10000x1xf32, #tpu.memory_space<vmem>>, %arg2: memref<10000x128xf32, #tpu.memory_space<vmem>>, %arg3: memref<128x128xf32, #tpu.memory_space<vmem>>, %arg4: memref<128x128xf32, #tpu.memory_space<vmem>>, %arg5: memref<1x128xf32, #tpu.memory_space<vmem>>, %arg6: memref<10000x128xf32, #tpu.memory_space<vmem>>) attributes {dimension_semantics = [], scalar_prefetch = 0 : i64, scratch_operands = 0 : i64, tpu.core_type = #tpu.core_type<tc>} {
    %get3A = arith.constant 0 : index
    %get3A_0 = arith.constant 0 : index
    %get3A_1 = vector.load %arg0[%get3A, %get3A_0] : memref<20224x128xf32, #tpu.memory_space<vmem>>, vector<10000x128xf32>
    %get3A_2 = arith.constant 10112 : index
    %get3A_3 = arith.constant 0 : index
    %get3A_4 = vector.load %arg0[%get3A_2, %get3A_3] : memref<20224x128xf32, #tpu.memory_space<vmem>>, vector<10000x128xf32>
    %add3A = arith.addf %get3A_1, %get3A_4 : vector<10000x128xf32>
    %get3A_5 = arith.constant 0 : index
    %get3A_6 = arith.constant 0 : index
    %get3A_7 = vector.load %arg1[%get3A_5, %get3A_6] : memref<10000x1xf32, #tpu.memory_space<vmem>>, vector<10000x1xf32>
    %max3A = arith.constant 1.000000e+00 : f32
    %max3A_8 = vector.broadcast %max3A : f32 to vector<10000x1xf32>
    %max3A_9 = arith.maximumf %get3A_7, %max3A_8 : vector<10000x1xf32>
    %div3A = vector.broadcast %max3A_9 : vector<10000x1xf32> to vector<10000x128xf32>
    %div3A_10 = arith.divf %add3A, %div3A : vector<10000x128xf32>
    %get3A_11 = arith.constant 0 : index
    %get3A_12 = arith.constant 0 : index
    %get3A_13 = vector.load %arg3[%get3A_11, %get3A_12] : memref<128x128xf32, #tpu.memory_space<vmem>>, vector<128x128xf32>
    %dot_general3A = arith.constant dense<0.000000e+00> : vector<10000x128xf32>
    %dot_general3A_14 = tpu.matmul %div3A_10, %get3A_13, %dot_general3A {dimension_numbers = #tpu.dot_dimension_numbers<[1], [0], [0], [1], [0, 0, 1, 1], [], []>, transpose_lhs_hint = false} : vector<10000x128xf32>, vector<128x128xf32>, vector<10000x128xf32> -> vector<10000x128xf32>
    %get3A_15 = arith.constant 0 : index
    %get3A_16 = arith.constant 0 : index
    %get3A_17 = vector.load %arg2[%get3A_15, %get3A_16] : memref<10000x128xf32, #tpu.memory_space<vmem>>, vector<10000x128xf32>
    %get3A_18 = arith.constant 0 : index
    %get3A_19 = arith.constant 0 : index
    %get3A_20 = vector.load %arg4[%get3A_18, %get3A_19] : memref<128x128xf32, #tpu.memory_space<vmem>>, vector<128x128xf32>
    %dot_general3A_21 = arith.constant dense<0.000000e+00> : vector<10000x128xf32>
    %dot_general3A_22 = tpu.matmul %get3A_17, %get3A_20, %dot_general3A_21 {dimension_numbers = #tpu.dot_dimension_numbers<[1], [0], [0], [1], [0, 0, 1, 1], [], []>, transpose_lhs_hint = false} : vector<10000x128xf32>, vector<128x128xf32>, vector<10000x128xf32> -> vector<10000x128xf32>
    %add3A_23 = arith.addf %dot_general3A_14, %dot_general3A_22 : vector<10000x128xf32>
    %get3A_24 = arith.constant 0 : index
    %get3A_25 = arith.constant 0 : index
    %get3A_26 = vector.load %arg5[%get3A_24, %get3A_25] : memref<1x128xf32, #tpu.memory_space<vmem>>, vector<1x128xf32>
    %add3A_27 = vector.broadcast %get3A_26 : vector<1x128xf32> to vector<10000x128xf32>
    %add3A_28 = arith.addf %add3A_23, %add3A_27 : vector<10000x128xf32>
    %max3A_29 = arith.constant 0.000000e+00 : f32
    %max3A_30 = vector.broadcast %max3A_29 : f32 to vector<10000x128xf32>
    %max3A_31 = arith.maximumf %add3A_28, %max3A_30 : vector<10000x128xf32>
    %swap3A = arith.constant 0 : index
    %swap3A_32 = arith.constant 0 : index
    %swap3A_33 = vector.load %arg6[%swap3A, %swap3A_32] : memref<10000x128xf32, #tpu.memory_space<vmem>>, vector<10000x128xf32>
    tpu.vector_store %arg6[%swap3A, %swap3A_32], %max3A_31 {strides = array<i32>} : memref<10000x128xf32, #tpu.memory_space<vmem>>, vector<10000x128xf32>,
    return
  }
}

module attributes {stable_mosaic.version = 14 : i64} {
  func.func @body(%arg0: memref<20224x128xf32, #tpu.memory_space<vmem>>, %arg1: memref<10000x1xf32, #tpu.memory_space<vmem>>, %arg2: memref<10000x128xf32, #tpu.memory_space<vmem>>, %arg3: memref<128x128xf32, #tpu.memory_space<vmem>>, %arg4: memref<128x128xf32, #tpu.memory_space<vmem>>, %arg5: memref<1x128xf32, #tpu.memory_space<vmem>>, %arg6: memref<10000x128xf32, #tpu.memory_space<vmem>>, %arg7: memref<10000x128xf32, #tpu.memory_space<vmem>>) attributes {dimension_semantics = [], scalar_prefetch = 0 : i64, scratch_operands = 0 : i64, tpu.core_type = #tpu.core_type<tc>} {
    %get3A = arith.constant 0 : index
    %get3A_0 = arith.constant 0 : index
    %get3A_1 = vector.load %arg0[%get3A, %get3A_0] : memref<20224x128xf32, #tpu.memory_space<vmem>>, vector<10000x128xf32>
    %get3A_2 = arith.constant 10112 : index
    %get3A_3 = arith.constant 0 : index
    %get3A_4 = vector.load %arg0[%get3A_2, %get3A_3] : memref<20224x128xf32, #tpu.memory_space<vmem>>, vector<10000x128xf32>
    %add3A = arith.addf %get3A_1, %get3A_4 : vector<10000x128xf32>
    %get3A_5 = arith.constant 0 : index
    %get3A_6 = arith.constant 0 : index
    %get3A_7 = vector.load %arg1[%get3A_5, %get3A_6] : memref<10000x1xf32, #tpu.memory_space<vmem>>, vector<10000x1xf32>
    %max3A = arith.constant 1.000000e+00 : f32
    %max3A_8 = vector.broadcast %max3A : f32 to vector<10000x1xf32>
    %max3A_9 = arith.maximumf %get3A_7, %max3A_8 : vector<10000x1xf32>
    %div3A = vector.broadcast %max3A_9 : vector<10000x1xf32> to vector<10000x128xf32>
    %div3A_10 = arith.divf %add3A, %div3A : vector<10000x128xf32>
    %get3A_11 = arith.constant 0 : index
    %get3A_12 = arith.constant 0 : index
    %get3A_13 = vector.load %arg3[%get3A_11, %get3A_12] : memref<128x128xf32, #tpu.memory_space<vmem>>, vector<128x128xf32>
    %dot_general3A = arith.constant dense<0.000000e+00> : vector<10000x128xf32>
    %dot_general3A_14 = tpu.matmul %div3A_10, %get3A_13, %dot_general3A {dimension_numbers = #tpu.dot_dimension_numbers<[1], [0], [0], [1], [0, 0, 1, 1], [], []>, transpose_lhs_hint = false} : vector<10000x128xf32>, vector<128x128xf32>, vector<10000x128xf32> -> vector<10000x128xf32>
    %get3A_15 = arith.constant 0 : index
    %get3A_16 = arith.constant 0 : index
    %get3A_17 = vector.load %arg2[%get3A_15, %get3A_16] : memref<10000x128xf32, #tpu.memory_space<vmem>>, vector<10000x128xf32>
    %get3A_18 = arith.constant 0 : index
    %get3A_19 = arith.constant 0 : index
    %get3A_20 = vector.load %arg4[%get3A_18, %get3A_19] : memref<128x128xf32, #tpu.memory_space<vmem>>, vector<128x128xf32>
    %dot_general3A_21 = arith.constant dense<0.000000e+00> : vector<10000x128xf32>
    %dot_general3A_22 = tpu.matmul %get3A_17, %get3A_20, %dot_general3A_21 {dimension_numbers = #tpu.dot_dimension_numbers<[1], [0], [0], [1], [0, 0, 1, 1], [], []>, transpose_lhs_hint = false} : vector<10000x128xf32>, vector<128x128xf32>, vector<10000x128xf32> -> vector<10000x128xf32>
    %add3A_23 = arith.addf %dot_general3A_14, %dot_general3A_22 : vector<10000x128xf32>
    %get3A_24 = arith.constant 0 : index
    %get3A_25 = arith.constant 0 : index
    %get3A_26 = vector.load %arg5[%get3A_24, %get3A_25] : memref<1x128xf32, #tpu.memory_space<vmem>>, vector<1x128xf32>
    %add3A_27 = vector.broadcast %get3A_26 : vector<1x128xf32> to vector<10000x128xf32>
    %add3A_28 = arith.addf %add3A_23, %add3A_27 : vector<10000x128xf32>
    %swap3A = arith.constant 0 : index
    %swap3A_29 = arith.constant 0 : index
    %swap3A_30 = vector.load %arg6[%swap3A, %swap3A_29] : memref<10000x128xf32, #tpu.memory_space<vmem>>, vector<10000x128xf32>
    tpu.vector_store %arg6[%swap3A, %swap3A_29], %add3A_28 {strides = array<i32>} : memref<10000x128xf32, #tpu.memory_space<vmem>>, vector<10000x128xf32>,
    %reduce_max3A = arith.constant dense<0xFF800000> : vector<10000xf32>
    %reduce_max3A_31 = vector.multi_reduction <maximumf>, %add3A_28, %reduce_max3A [1] : vector<10000x128xf32> to vector<10000xf32>
    %broadcast_in_dim3A = vector.shape_cast %reduce_max3A_31 : vector<10000xf32> to vector<10000x1xf32>
    %sub3A = vector.broadcast %broadcast_in_dim3A : vector<10000x1xf32> to vector<10000x128xf32>
    %sub3A_32 = arith.subf %add3A_28, %sub3A : vector<10000x128xf32>
    %exp3A = math.exp %sub3A_32 : vector<10000x128xf32>
    %reduce_sum3A = arith.constant dense<0.000000e+00> : vector<10000xf32>
    %reduce_sum3A_33 = vector.multi_reduction <add>, %exp3A, %reduce_sum3A [1] : vector<10000x128xf32> to vector<10000xf32>
    %broadcast_in_dim3A_34 = vector.shape_cast %reduce_sum3A_33 : vector<10000xf32> to vector<10000x1xf32>
    %log3A = math.log %broadcast_in_dim3A_34 : vector<10000x1xf32>
    %add3A_35 = arith.addf %log3A, %broadcast_in_dim3A : vector<10000x1xf32>
    %sub3A_36 = vector.broadcast %add3A_35 : vector<10000x1xf32> to vector<10000x128xf32>
    %sub3A_37 = arith.subf %add3A_28, %sub3A_36 : vector<10000x128xf32>
    %swap3A_38 = arith.constant 0 : index
    %swap3A_39 = arith.constant 0 : index
    %swap3A_40 = vector.load %arg7[%swap3A_38, %swap3A_39] : memref<10000x128xf32, #tpu.memory_space<vmem>>, vector<10000x128xf32>
    tpu.vector_store %arg7[%swap3A_38, %swap3A_39], %sub3A_37 {strides = array<i32>} : memref<10000x128xf32, #tpu.memory_space<vmem>>, vector<10000x128xf32>,
    return
  }
}

</mosaic_0001>

<sc_bundles>
// kernel: kernel.6.cloned.1.call-start
scs
__scs_entry_jumppad:
0x0: {  	(pc) =	sbr.rel $0x88, $3  }
0x1: {  	(tag) =	ssettag $0x0;
	lr =	simm.s32 $0x1  }
0x2: {  	[smem:$0x3F99] =	sst lr;
	_ =	strace $0xD0000000  }
0x3: {  	_ = 	snop  }
0x4: {  	_ = 	snop  }
0x5: {  	_ = 	snop  }
0x6: {  	_ = 	snop  }
0x7: {  	_ = 	snop  }
__scs_overlays_trampoline_lowered:
0x8: {  	[smem:$0x3FA8] =	sst s0  }
0x9: {  	[smem:$0x3FA9] =	sst s1  }
0xa: {  	[smem:$0x3FAA] =	sst s2  }
0xb: {  	[smem:$0x3FAB] =	sst s3  }
0xc: {  	[smem:$0x3FAC] =	sst s4  }
0xd: {  	[smem:$0x3FAD] =	sst s5  }
0xe: {  	[smem:$0x3FAE] =	sst s6  }
0xf: {  	[smem:$0x3FAF] =	sst s7  }
0x10: {  	[smem:$0x3FB0] =	sst s8  }
0x11: {  	[smem:$0x3FB1] =	sst s9;
	s0 =	simm.s32 @!p0 $0x0  }
0x12: {  	s1 =	sld [smem:$0x3F97];
	s0 =	simm.s32 @p0 $0x1  }
0x13: {  	[smem:$0x3FB2] =	sst s0;
	s0 =	simm.s32 @!p1 $0x0  }
0x14: {  	s2 =	sld [smem:$0x3F96];
	s0 =	simm.s32 @p1 $0x1  }
0x15: {  	[smem:$0x3FB3] =	sst s0;
	s0 =	simm.s32 @!p2 $0x0  }
0x16: {  	s3 =	sld [smem:$0x3FDB];
	s0 =	simm.s32 @p2 $0x1  }
0x17: {  	s4 =	simm.s32 $0x1BF5;
	[smem:$0x3FB5] =	sst s0  }
0x18: {  	s0 =	sld [smem:$0x3F98];
	_ =	swait.ge [sflag:s4], $0x0  }
0x19: {  	s7 =	sld [smem:$0x3F99]  }
0x1a: {  	s8 =	sadd.s32 $0xFFFFE003, lr  }
0x1b: {  	s9 =	sadd.s32 $0xFFFFFEF7, lr;
	s5 =	simm.s32 $0xFFFFFFFF;
	p2 =	slt.u32 s8, $0xFFFFF086  }
0x1c: {  	p1 =	slt.u32 s9, $0xF7A;
	s5 =	simm.s32 @!p2 $0x0  }
0x1d: {  	s5 =	simm.s32 @p1 $0x1;
	p0 =	seq.s32 s7, s2  }
0x1e: {  	s7 =	smul.u32 @!p0 $0xF7A, s2;
	p2 =	seq.s32 @!p0 s5, $0x0  }
0x1f: {  	s9 =	smul.u32 $0xF7A, s1;
	s8 =	simm.s32 @!p0 $0x1BF5;
	p2 =	por !p2, p0  }
0x20: {  	[sflag:s8] =	ssyncset.s32 @!p0 $0xFFFFF086;
	s6 =	sadd.s32 @!p0 s3, s7;
	s7 =	simm.s32 @!p0 $0x108  }
0x21: {  	s3 =	sadd.s32 s3, s9;
	s6 =	sadd.s32 @!p0 $0x88, s6;
	s7 =	simm.s32 @p2 $0x1082  }
0x22: {  	[simem:s7], [sflag:s8] =	dma.local @!p0 [hbm:s6], $0xF7A  }
0x23: {  	s9 =	sor.u32 $0xD0000000, s2;
	s6 =	simm.s32 $0x108;
	_ =	swait.ge @!p0 [sflag:s8], $0x0  }
0x24: {  	s3 =	sadd.s32 $0x88, s3;
	s6 =	simm.s32 @!p1 $0x1082;
	[sflag:s4] =	ssyncset.s32 $0xFFFFF086  }
0x25: {  	[simem:s6], [sflag:s4] =	dma.local [hbm:s3], $0xF7A  }
0x26: {  	[smem:$0x3F99] =	sst s1;
	(tag) =	ssettag s2;
	_ =	strace s9  }
0x27: {  	s1 =	sld [smem:$0x3FA9]  }
0x28: {  	s2 =	sld [smem:$0x3FAA]  }
0x29: {  	s4 =	sld [smem:$0x3FAC]  }
0x2a: {  	p0 =	seq.s32 s5, $0x0;
	s5 =	sld [smem:$0x3FAD]  }
0x2b: {  	s6 =	sld [smem:$0x3FAE]  }
0x2c: {  	s7 =	sld [smem:$0x3FAF]  }
0x2d: {  	s3 =	simm.s32 $0x108;
	s8 =	sld [smem:$0x3FB0]  }
0x2e: {  	s3 =	simm.s32 @!p0 $0x1082;
	s9 =	sld [smem:$0x3FB1]  }
0x2f: {  	lr =	sadd.s32 s0, s3;
	s0 =	sld [smem:$0x3FA8]  }
0x30: {  	s3 =	sld [smem:$0x3FAB]  }
0x31: {  	[smem:$0x3FB4] =	sst s10  }
0x32: {  	s10 =	sld [smem:$0x3FB2];
	_ =	sdelay $0x3  }
0x33: {  	p0 =	seq.s32 s10, $0x1;
	s10 =	sld [smem:$0x3FB4];
	_ =	sdelay $0x3  }
0x34: {  	[smem:$0x3FB4] =	sst s10  }
0x35: {  	s10 =	sld [smem:$0x3FB3];
	_ =	sdelay $0x3  }
0x36: {  	p1 =	seq.s32 s10, $0x1;
	s10 =	sld [smem:$0x3FB4];
	_ =	sdelay $0x3  }
0x37: {  	[smem:$0x3FB4] =	sst s10  }
0x38: {  	s10 =	sld [smem:$0x3FB5]  }
0x39: {  	_ = 	snop;
	(pc) =	sbr.ind lr, $3  }
0x3a: {  	_ = 	snop  }
0x3b: {  	_ = 	snop  }
0x3c: {  	p2 =	seq.s32 s10, $0x1;
	s10 =	sld [smem:$0x3FB4]  }
0x3d: {  	_ =	shalt  }
0x3e: {  	_ =	shalt  }
0x3f: {  	_ =	shalt  }
0x40: {  	_ =	shalt  }
0x41: {  	_ =	shalt  }
0x42: {  	_ =	shalt  }
0x43: {  	_ =	shalt  }
0x44: {  	_ =	shalt  }
0x45: {  	_ =	shalt  }
0x46: {  	_ =	shalt  }
0x47: {  	_ =	shalt  }
0x48: {  	_ =	shalt  }
0x49: {  	_ =	shalt  }
0x4a: {  	_ =	shalt  }
0x4b: {  	_ =	shalt  }
0x4c: {  	_ =	shalt  }
0x4d: {  	_ =	shalt  }
0x4e: {  	_ =	shalt  }
0x4f: {  	_ =	shalt  }
0x50: {  	_ =	shalt  }
0x51: {  	_ =	shalt  }
0x52: {  	_ =	shalt  }
0x53: {  	_ =	shalt  }
0x54: {  	_ =	shalt  }
0x55: {  	_ =	shalt  }
0x56: {  	_ =	shalt  }
0x57: {  	_ =	shalt  }
0x58: {  	_ =	shalt  }
0x59: {  	_ =	shalt  }
0x5a: {  	_ =	shalt  }
0x5b: {  	_ =	shalt  }
0x5c: {  	_ =	shalt  }
0x5d: {  	_ =	shalt  }
0x5e: {  	_ =	shalt  }
0x5f: {  	_ =	shalt  }
0x60: {  	_ =	shalt  }
0x61: {  	_ =	shalt  }
0x62: {  	_ =	shalt  }
0x63: {  	_ =	shalt  }
0x64: {  	_ =	shalt  }
0x65: {  	_ =	shalt  }
0x66: {  	_ =	shalt  }
0x67: {  	_ =	shalt  }
0x68: {  	_ =	shalt  }
0x69: {  	_ =	shalt  }
0x6a: {  	_ =	shalt  }
0x6b: {  	_ =	shalt  }
0x6c: {  	_ =	shalt  }
0x6d: {  	_ =	shalt  }
0x6e: {  	_ =	shalt  }
0x6f: {  	_ =	shalt  }
0x70: {  	_ =	shalt  }
0x71: {  	_ =	shalt  }
0x72: {  	_ =	shalt  }
0x73: {  	_ =	shalt  }
0x74: {  	_ =	shalt  }
0x75: {  	_ =	shalt  }
0x76: {  	_ =	shalt  }
0x77: {  	_ =	shalt  }
0x78: {  	_ =	shalt  }
0x79: {  	_ =	shalt  }
0x7a: {  	_ =	shalt  }
0x7b: {  	_ =	shalt  }
0x7c: {  	_ =	shalt  }
0x7d: {  	_ =	shalt  }
0x7e: {  	_ =	shalt  }
0x7f: {  	_ =	shalt  }
0x80: {  	_ =	shalt  }
0x81: {  	_ =	shalt  }
0x82: {  	_ =	shalt  }
0x83: {  	_ =	shalt  }
0x84: {  	_ =	shalt  }
0x85: {  	_ =	shalt  }
0x86: {  	_ =	shalt  }
0x87: {  	_ =	shalt  }
.Lfunc_end0:
.L_simem_size_0:
called_computation_lowered:
.L_overlay_start_0:
0x88: {  	s2 =	sld [smem:$0x3FD9]  }
0x89: {  	s3 =	sld [smem:$0x3FFE];
	_ =	sdelay $0x1  }
0x8a: {  	s1 =	srdreg.scid  }
0x8b: {  	s0 =	sand.u32 $0x1, s1  }
0x8c: {  	s14 =	sshll.u32 s0, $0xA;
	s2 =	sadd.s32 s3, s2  }
0x8d: {  	s2 =	sadd.s32 s2, s14  }
0x8e: {  	[smem:$0x3FC0] =	sst s2  }
0x8f: {  	_ = 	snop  }
0x90: {  	s2 =	sld [smem:$0x3FD0];
	_ =	sdelay $0x2  }
0x91: {  	s4 =	simm.s32 $0xA;
	s5 =	simm.s32 $0x10;
	s15 =	sld [smem:$0x3FC9]  }
0x92: {  	[smem:s5], [sflag:s4] =	dma.local [hbm:s2], $0x1  }
0x93: {  	_ =	swait.eq [sflag:s4], $0x1  }
0x94: {  	[sflag:s4] =	ssyncset.done $0x0  }
0x95: {  	s16 =	sld [smem:$0x10];
	[sflag:s4] =	ssyncadd.s32 $0xFFFFFFFF  }
0x96: {  	s17 =	sld [smem:$0x11];
	(tm) =	ssettm $0x1  }
0x97: {  	s18 =	sld [smem:$0x3FFB];
	_ =	sdelay $0x3  }
0x98: {  	_ =	strace s18  }
0x99: {  	s5 =	sld [smem:$0x3FFC];
	_ =	sdelay $0x3  }
0x9a: {  	_ =	strace s5  }
0x9b: {  	s5 =	sld [smem:$0x3FFD];
	_ =	sdelay $0x3  }
0x9c: {  	_ =	strace s5  }
0x9d: {  	_ =	strace $0x8FFFFFFF  }
0x9e: {  	s19 =	sld [smem:$0x3FDB];
	_ =	sdelay $0x1  }
0x9f: {  	s6 =	simm.s32 $_scs_section_size  }
0xa0: {  	s7 =	simm.s32 $_size__tile_overlayer_lowered;
	s8 =	simm.s32 $_tile_overlayer_lowered  }
0xa1: {  	s22 =	simm.s32 $0x1BFF;
	s21 =	sshll.u32 s8, $0x1;
	s5 =	sadd.s32 s6, s19  }
0xa2: {  	s9 =	simm.s32 $0x0;
	s20 =	sshll.u32 s7, $0x1;
	s7 =	sadd.s32 s21, s5  }
0xa3: {  	[timem:s9], [sflag:s22] =	dma.local [hbm:s7], s20  }
0xa4: {  	_ =	swait.ge [sflag:s22], s20  }
0xa5: {  	s6 =	ssub.s32 $0x0, s20;
	[sflag:s22] =	ssyncset.done $0x0  }
0xa6: {  	[sflag:s22] =	ssyncadd.s32 s6;
	_ =	sdelay $0x1  }
0xa7: {  	s23 =	simm.s32 $0x1B8B  }
0xa8: {  	_ =	swait.ge [sflag:s23], $0x1  }
0xa9: {  	[sflag:s23] =	ssyncset.done $0x0  }
0xaa: {  	s25 =	simm.s32 $0x1B8E;
	s24 =	sld [smem:$0x3FFE];
	[sflag:s23] =	ssyncadd.s32 $0xFFFFFFFF  }
0xab: {  	s26 =	simm.s32 $execute0_lowered;
	[smem:$0x3FD2] =	sst s25  }
0xac: {  	s7 =	sshll.u32 s26, $0x1;
	_ =	strace $0x80000046;
	[dreg:$0x1] =	wrdreg $0xFFFFFFFF  }
0xad: {  	s28 =	simm.s32 $_size_execute0_lowered;
	s5 =	sadd.s32 s5, s7;
	[dreg:$0x0] =	wrdreg $0x0  }
0xae: {  	s7 =	sshll.u32 s28, $0x1;
	[dreg:$0x2] =	wrdreg s5  }
0xaf: {  	[dreg:$0x3] =	wrdreg s7  }
0xb0: {  	[dreg:$0x4] =	wrdreg $0xC0  }
0xb1: {  	_ =	task [dreg:s9], $0x5FFFF  }
0xb2: {  	[dreg:$0x1] =	wrdreg $0xFFFFFFFF  }
0xb3: {  	[dreg:$0x0] =	wrdreg $0x60  }
0xb4: {  	[dreg:$0x2] =	wrdreg s15  }
0xb5: {  	[dreg:$0x3] =	wrdreg s24  }
0xb6: {  	[dreg:$0x4] =	wrdreg s16  }
0xb7: {  	[dreg:$0x5] =	wrdreg s17  }
0xb8: {  	[dreg:$0x6] =	wrdreg $0x29000  }
0xb9: {  	[dreg:$0x7] =	wrdreg $0x18D800  }
0xba: {  	[dreg:$0x8] =	wrdreg $0x9  }
0xbb: {  	_ =	task.clear_ibuf [dreg:s9], $0x9FFFF;
	_ =	strace $0x90000046  }
0xbc: {  	s29 =	simm.s32 $0x9;
	_ =	strace $0x80000048  }
0xbd: {  	_ =	swait.ge [sflag:s29], $0x1  }
0xbe: {  	[sflag:s29] =	ssyncadd.s32 $0xFFFFFFFF  }
0xbf: {  	_ =	strace $0x90000048  }
0xc0: {  	_ =	sfence  }
0xc1: {  	s30 =	sld [smem:$0x0];
	_ =	sdelay $0x2  }
0xc2: {  	s31 =	sshll.u32 s1, $0xD;
	s1 =	sshrl.u32 s1, $0x2  }
0xc3: {  	s3 =	sand.u32 $0x4000, s31;
	s1 =	sadd.s32 s1, s30  }
0xc4: {  	s0 =	sor.u32 s3, s0;
	s1 =	sshll.u32 s1, $0x11  }
0xc5: {  	s0 =	sor.u32 s1, s0  }
0xc6: {  	s0 =	sadd.s32 $0x8F2B, s0  }
0xc7: {  	[sflag:s0] =	ssyncadd.remote.s32 $0x1  }
0xc8: {  	_ =	sfence.sel $0xFFFF  }
0xc9: {  	[dreg:$0x0] =	wrdreg $0xFFFFFFFF;
	(pc) =	sbr.abs _section_cstart, $3  }
0xca: {  	[dreg:$0x1] =	wrdreg $0xFFFFFFFF  }
0xcb: {  	_ =	task.clear_ibuf [dreg:s9], $0x2FFFF;
	_ =	strace $0x9FFFFFFF  }
0xcc: {  	(tm) =	ssettm $0x7FFFFFFF  }
0xcd: {  	_ =	shalt  }
tec
execute0_lowered:
.L_overlay_start_1:
0x0: {  	(tag) =	ssettag $0x1  }
0x1: {  	s0 =	rddreg [dreg:$0x0]  }
0x2: {  	s6 =	rddreg [dreg:$0x1]  }
0x3: {  	s10 =	rddreg [dreg:$0x2]  }
0x4: {  	s8 =	rddreg [dreg:$0x3]  }
0x5: {  	s2 =	srdreg.scid;
	s1 =	rddreg [dreg:$0x4]  }
0x6: {  	s11 =	stileid.u32;
	s3 =	rddreg [dreg:$0x5];
	s4 =	simm.s32 $0x0  }
0x7: {  	s17 =	simm.s32 $0x80;
	s18 =	simm.s32 $0x50;
	s19 =	simm.s32 $0x100  }
0x8: {  	s20 =	simm.s32 $0x1;
	s7 =	sand.u32 $0x1, s2;
	s9 =	smul.u32 $0x2710, s11  }
0x9: {  	s21 =	simm.s32 $0x0;
	s2 =	rddreg [dreg:$0x6];
	s5 =	smul.u32 $0x27100, s7  }
0xa: {  	[smem:$0x7FF] =	sst s4;
	p0 =	sne.s32 s11, $0x0;
	s31 =	smul.u32 $0x27800, s7  }
0xb: {  	_ =	strace $0x80000047;
	s14 =	ssub.s32 $0x2, s7;
	s16 =	smul.u32 $0x500, s7  }
0xc: {  	s15 =	sshrl.u32 s14, $0x1;
	s5 =	sadd.s32 s9, s5;
	s9 =	sadd.s32 s31, s6  }
0xd: {  	s14 =	ssub.s32 s14, s15;
	s8 =	sadd.s32 s8, s16;
	s15 =	simm.s32 $0x2  }
0xe: {  	s16 =	simm.s32 $0x18D00;
	s12 =	sshrl.u32 s5, $0x3;
	s5 =	sadd.s32 $0xBE00, s6  }
0xf: {  	s7 =	sadd.s32 $0x33600, s9;
	s9 =	smax.u32 s14, $0x1;
	s14 =	simm.s32 $0x16500  }
0x10: {  	s13 =	sadd.s32 s12, s6;
	s6 =	sadd.s32 $0xBC00, s6;
	s10 =	sadd.s32 s12, s10  }
0x11: {  	v0 =	vimm.f32 $1.000000000e+00;
	s12 =	sshrl.u32 @!p0 s1, $0x3;
	s11 =	sadd.s32 $0x1E00, s13;
	s13 =	sshrl.u32 @!p0 s3, $0x3  }
.LBB2_1:
0x12: {  	s22 =	simm.s32 @!p0 $0x1C02;
	s23 =	simm.s32 @!p0 $0x2  }
0x13: {  	[spmem:s12], [sflag:s22] =	dma.local @!p0 [hbm:s5], $0x27800  }
0x14: {  	_ =	swait.ge @!p0 [sflag:s23], $0x27800  }
0x15: {  	[sflag:s23] =	ssyncset.done @!p0 $0x0  }
0x16: {  	[sflag:s23] =	ssyncadd.s32 @!p0 $0xFFFD8800  }
0x17: {  	[spmem:s13], [sflag:s22] =	dma.local @!p0 [hbm:s5], $0x500  }
0x18: {  	_ =	swait.ge @!p0 [sflag:s23], $0x500  }
0x19: {  	[sflag:s23] =	ssyncset.done @!p0 $0x0  }
0x1a: {  	[sflag:s23] =	ssyncadd.s32 @!p0 $0xFFFFFB00  }
0x1b: {  	[tilespmem:s14], [sflag:$0x2] =	stream.linear.gather [hbm4b:s5+s4], $0x2800, $0x38;
	[tilespmem:$0x19000] =	vst v63  }
0x1c: {  	_ =	swait.ge [sflag:s15], $0x2800  }
0x1d: {  	[sflag:s15] =	ssyncset.done $0x0  }
0x1e: {  	[sflag:s15] =	ssyncadd.s32 $0xFFFFD800  }
0x1f: {  	[tilespmem:s16], [sflag:$0x2] =	stream.linear.gather [hbm4b:s6+s4], $0x80, $0x38;
	[tilespmem:$0x19000] =	vst v63  }
0x20: {  	_ =	swait.ge [sflag:s15], $0x80  }
0x21: {  	[sflag:s15] =	ssyncset.done $0x0  }
0x22: {  	[sflag:s15] =	ssyncadd.s32 $0xFFFFFF80  }
0x23: {  	s22 =	simm.s32 $0x0;
	[bflag:$0x0] =	sbarrier.arrive $0xFFFF  }
.LBB2_2:
0x24: {  	s23 =	sadd.s32 s22, s11  }
0x25: {  	[tilespmem:s4], [sflag:$0x2] =	stream.linear.gather [hbm4b:s23+s4], $0x50, $0x38;
	[tilespmem:$0x19000] =	vst v63  }
0x26: {  	_ =	swait.ge [sflag:s15], $0x50  }
0x27: {  	[sflag:s15] =	ssyncset.done $0x0  }
0x28: {  	s31 =	sadd.s32 s22, s10;
	[sflag:s15] =	ssyncadd.s32 $0xFFFFFFB0  }
0x29: {  	[tilespmem:s17], [sflag:$0x2] =	stream.linear.gather [hbm4b:s31+s4], $0x50, $0x38;
	[tilespmem:$0x19000] =	vst v63  }
0x2a: {  	_ =	swait.ge [sflag:s15], $0x50  }
0x2b: {  	[sflag:s15] =	ssyncset.done $0x0  }
0x2c: {  	[sflag:s15] =	ssyncadd.s32 $0xFFFFFFB0  }
0x2d: {  	[tilespmem:s19], [sflag:$0x1] =	stream.indirect.gather [hbm4b:s0+s18], $0x80, s4, s18, $0xb8;
	[tilespmem:$0x19000] =	vst v63  }
0x2e: {  	v1 =	vld [tilespmem:$0x80];
	_ =	sdelay $0x7  }
0x2f: {  	[tilespmem:v1+s14+$0x0] =	vst.idx.add.f32.msk $0xffff, v0  }
0x30: {  	v1 =	vld [tilespmem:$0x90];
	_ =	sdelay $0x7  }
0x31: {  	[tilespmem:v1+s14+$0x0] =	vst.idx.add.f32.msk $0xffff, v0  }
0x32: {  	v1 =	vld [tilespmem:$0xA0];
	_ =	sdelay $0x7  }
0x33: {  	[tilespmem:v1+s14+$0x0] =	vst.idx.add.f32.msk $0xffff, v0  }
0x34: {  	v1 =	vld [tilespmem:$0xB0];
	_ =	sdelay $0x7  }
0x35: {  	[tilespmem:v1+s14+$0x0] =	vst.idx.add.f32.msk $0xffff, v0  }
0x36: {  	v1 =	vld [tilespmem:$0xC0];
	_ =	sdelay $0x7  }
0x37: {  	[tilespmem:v1+s14+$0x0] =	vst.idx.add.f32.msk $0xffff, v0  }
0x38: {  	_ =	swait.ge [sflag:s20], $0x2800  }
0x39: {  	p1 =	sne.s32 s22, $0x4D8;
	[sflag:s20] =	ssyncset.done $0x0  }
.Ltmp0:
0x3a: {  	[sflag:s20] =	ssyncadd.s32 $0xFFFFD800;
	(pc) =	sbr.rel @p1 .LBB2_2-.Ltmp0, $4  }
0x3b: {  	[spmem:s1] =	stream.indirect.scatter.add.f32 [tilespmem:s19], [sflag:$0x2], $0x80, s17, s18, $0xb8;
	[tilespmem:$0x19000] =	vst v63  }
0x3c: {  	_ =	swait.ge [sflag:s15], $0x2800  }
0x3d: {  	[sflag:s15] =	ssyncset.done $0x0  }
0x3e: {  	s22 =	sadd.s32 $0xA, s22;
	[sflag:s15] =	ssyncadd.s32 $0xFFFFD800  }
0x3f: {  	[spmem:s3] =	stream.indirect.scatter.add.f32 [tilespmem:s14], [sflag:$0x2], $0x80, s16, s18, $0xb8;
	[tilespmem:$0x19000] =	vst v63  }
0x40: {  	_ =	swait.ge [sflag:s15], $0x2800  }
0x41: {  	[sflag:s15] =	ssyncset.done $0x0  }
0x42: {  	[sflag:s15] =	ssyncadd.s32 $0xFFFFD800  }
0x43: {  	s22 =	simm.s32 @!p0 $0x1C02;
	s23 =	simm.s32 @!p0 $0x2;
	[bflag:$0x0] =	sbarrier.arrive $0xFFFF  }
0x44: {  	[hbm:s7], [sflag:s22] =	dma.local @!p0 [spmem:s12], $0x27800  }
0x45: {  	s21 =	sadd.s32 $0x1, s21;
	_ =	swait.ge @!p0 [sflag:s23], $0x27800  }
0x46: {  	p1 =	sne.s32 s21, s9;
	[sflag:s23] =	ssyncset.done @!p0 $0x0  }
.Ltmp1:
0x47: {  	[sflag:s23] =	ssyncadd.s32 @!p0 $0xFFFD8800;
	(pc) =	sbr.rel @p1 .LBB2_1-.Ltmp1, $4  }
0x48: {  	[hbm:s8], [sflag:s22] =	dma.local @!p0 [spmem:s13], $0x500  }
0x49: {  	_ =	swait.ge @!p0 [sflag:s23], $0x500  }
0x4a: {  	[sflag:s23] =	ssyncset.done @!p0 $0x0  }
0x4b: {  	[sflag:s23] =	ssyncadd.s32 @!p0 $0xFFFFFB00  }
0x4c: {  	_ =	sfence.sel $0x180000  }
0x4d: {  	[bflag:$0x0] =	sbarrier.arrive $0xFFFF  }
0x4e: {  	_ =	strace $0x90000047  }
0x4f: {  	s0 =	sadd.s32 @!p0 $0x100000, s2;
	[bflag:$0x2] =	sbarrier.arrive $0xFFFF  }
0x50: {  	[sflag:s0] =	ssyncadd.tile.s32 @!p0 $0x1;
	_ =	shalt  }
.Lfunc_end2:
_tile_overlayer_lowered:
.L_overlay_start_2:
0x51: {  	(tag) =	ssettag $0x2  }
0x52: {  	s0 =	rddreg [dreg:$0x0];
	s2 =	stileid.u32  }
0x53: {  	s1 =	rddreg [dreg:$0x1];
	p0 =	sne.s32 s2, $0x0  }
0x54: {  	s3 =	rddreg [dreg:$0x2];
	[bflag:$0x3] =	sbarrier.arrive $0xFFFF;
	s2 =	simm.s32 @!p0 $0x1C02  }
0x55: {  	[timem:s3], [sflag:s2] =	dma.local @!p0 [hbm:s0], s1  }
0x56: {  	s0 =	simm.s32 @!p0 $0x2  }
0x57: {  	_ =	swait.ge @!p0 [sflag:s0], s1  }
0x58: {  	s1 =	ssub.s32 @!p0 $0x0, s1;
	[sflag:s0] =	ssyncset.done @!p0 $0x0  }
0x59: {  	[sflag:s0] =	ssyncadd.s32 @!p0 s1  }
0x5a: {  	[bflag:$0x3] =	sbarrier.arrive $0xFFFF  }
0x5b: {  	_ =	shalt  }

// kernel: kernel.9.cloned.1.call-start
scs
__scs_entry_jumppad:
0x0: {  	(pc) =	sbr.rel $0x88, $3  }
0x1: {  	(tag) =	ssettag $0x0;
	lr =	simm.s32 $0x1  }
0x2: {  	[smem:$0x3F99] =	sst lr;
	_ =	strace $0xD0000000  }
0x3: {  	_ = 	snop  }
0x4: {  	_ = 	snop  }
0x5: {  	_ = 	snop  }
0x6: {  	_ = 	snop  }
0x7: {  	_ = 	snop  }
__scs_overlays_trampoline_lowered:
0x8: {  	[smem:$0x3FA8] =	sst s0  }
0x9: {  	[smem:$0x3FA9] =	sst s1  }
0xa: {  	[smem:$0x3FAA] =	sst s2  }
0xb: {  	[smem:$0x3FAB] =	sst s3  }
0xc: {  	[smem:$0x3FAC] =	sst s4  }
0xd: {  	[smem:$0x3FAD] =	sst s5  }
0xe: {  	[smem:$0x3FAE] =	sst s6  }
0xf: {  	[smem:$0x3FAF] =	sst s7  }
0x10: {  	[smem:$0x3FB0] =	sst s8  }
0x11: {  	[smem:$0x3FB1] =	sst s9;
	s0 =	simm.s32 @!p0 $0x0  }
0x12: {  	s1 =	sld [smem:$0x3F97];
	s0 =	simm.s32 @p0 $0x1  }
0x13: {  	[smem:$0x3FB2] =	sst s0;
	s0 =	simm.s32 @!p1 $0x0  }
0x14: {  	s2 =	sld [smem:$0x3F96];
	s0 =	simm.s32 @p1 $0x1  }
0x15: {  	[smem:$0x3FB3] =	sst s0;
	s0 =	simm.s32 @!p2 $0x0  }
0x16: {  	s3 =	sld [smem:$0x3FDB];
	s0 =	simm.s32 @p2 $0x1  }
0x17: {  	s4 =	simm.s32 $0x1BF5;
	[smem:$0x3FB5] =	sst s0  }
0x18: {  	s0 =	sld [smem:$0x3F98];
	_ =	swait.ge [sflag:s4], $0x0  }
0x19: {  	s7 =	sld [smem:$0x3F99]  }
0x1a: {  	s8 =	sadd.s32 $0xFFFFE003, lr  }
0x1b: {  	s9 =	sadd.s32 $0xFFFFFEF7, lr;
	s5 =	simm.s32 $0xFFFFFFFF;
	p2 =	slt.u32 s8, $0xFFFFF086  }
0x1c: {  	p1 =	slt.u32 s9, $0xF7A;
	s5 =	simm.s32 @!p2 $0x0  }
0x1d: {  	s5 =	simm.s32 @p1 $0x1;
	p0 =	seq.s32 s7, s2  }
0x1e: {  	s7 =	smul.u32 @!p0 $0xF7A, s2;
	p2 =	seq.s32 @!p0 s5, $0x0  }
0x1f: {  	s9 =	smul.u32 $0xF7A, s1;
	s8 =	simm.s32 @!p0 $0x1BF5;
	p2 =	por !p2, p0  }
0x20: {  	[sflag:s8] =	ssyncset.s32 @!p0 $0xFFFFF086;
	s6 =	sadd.s32 @!p0 s3, s7;
	s7 =	simm.s32 @!p0 $0x108  }
0x21: {  	s3 =	sadd.s32 s3, s9;
	s6 =	sadd.s32 @!p0 $0x88, s6;
	s7 =	simm.s32 @p2 $0x1082  }
0x22: {  	[simem:s7], [sflag:s8] =	dma.local @!p0 [hbm:s6], $0xF7A  }
0x23: {  	s9 =	sor.u32 $0xD0000000, s2;
	s6 =	simm.s32 $0x108;
	_ =	swait.ge @!p0 [sflag:s8], $0x0  }
0x24: {  	s3 =	sadd.s32 $0x88, s3;
	s6 =	simm.s32 @!p1 $0x1082;
	[sflag:s4] =	ssyncset.s32 $0xFFFFF086  }
0x25: {  	[simem:s6], [sflag:s4] =	dma.local [hbm:s3], $0xF7A  }
0x26: {  	[smem:$0x3F99] =	sst s1;
	(tag) =	ssettag s2;
	_ =	strace s9  }
0x27: {  	s1 =	sld [smem:$0x3FA9]  }
0x28: {  	s2 =	sld [smem:$0x3FAA]  }
0x29: {  	s4 =	sld [smem:$0x3FAC]  }
0x2a: {  	p0 =	seq.s32 s5, $0x0;
	s5 =	sld [smem:$0x3FAD]  }
0x2b: {  	s6 =	sld [smem:$0x3FAE]  }
0x2c: {  	s7 =	sld [smem:$0x3FAF]  }
0x2d: {  	s3 =	simm.s32 $0x108;
	s8 =	sld [smem:$0x3FB0]  }
0x2e: {  	s3 =	simm.s32 @!p0 $0x1082;
	s9 =	sld [smem:$0x3FB1]  }
0x2f: {  	lr =	sadd.s32 s0, s3;
	s0 =	sld [smem:$0x3FA8]  }
0x30: {  	s3 =	sld [smem:$0x3FAB]  }
0x31: {  	[smem:$0x3FB4] =	sst s10  }
0x32: {  	s10 =	sld [smem:$0x3FB2];
	_ =	sdelay $0x3  }
0x33: {  	p0 =	seq.s32 s10, $0x1;
	s10 =	sld [smem:$0x3FB4];
	_ =	sdelay $0x3  }
0x34: {  	[smem:$0x3FB4] =	sst s10  }
0x35: {  	s10 =	sld [smem:$0x3FB3];
	_ =	sdelay $0x3  }
0x36: {  	p1 =	seq.s32 s10, $0x1;
	s10 =	sld [smem:$0x3FB4];
	_ =	sdelay $0x3  }
0x37: {  	[smem:$0x3FB4] =	sst s10  }
0x38: {  	s10 =	sld [smem:$0x3FB5]  }
0x39: {  	_ = 	snop;
	(pc) =	sbr.ind lr, $3  }
0x3a: {  	_ = 	snop  }
0x3b: {  	_ = 	snop  }
0x3c: {  	p2 =	seq.s32 s10, $0x1;
	s10 =	sld [smem:$0x3FB4]  }
0x3d: {  	_ =	shalt  }
0x3e: {  	_ =	shalt  }
0x3f: {  	_ =	shalt  }
0x40: {  	_ =	shalt  }
0x41: {  	_ =	shalt  }
0x42: {  	_ =	shalt  }
0x43: {  	_ =	shalt  }
0x44: {  	_ =	shalt  }
0x45: {  	_ =	shalt  }
0x46: {  	_ =	shalt  }
0x47: {  	_ =	shalt  }
0x48: {  	_ =	shalt  }
0x49: {  	_ =	shalt  }
0x4a: {  	_ =	shalt  }
0x4b: {  	_ =	shalt  }
0x4c: {  	_ =	shalt  }
0x4d: {  	_ =	shalt  }
0x4e: {  	_ =	shalt  }
0x4f: {  	_ =	shalt  }
0x50: {  	_ =	shalt  }
0x51: {  	_ =	shalt  }
0x52: {  	_ =	shalt  }
0x53: {  	_ =	shalt  }
0x54: {  	_ =	shalt  }
0x55: {  	_ =	shalt  }
0x56: {  	_ =	shalt  }
0x57: {  	_ =	shalt  }
0x58: {  	_ =	shalt  }
0x59: {  	_ =	shalt  }
0x5a: {  	_ =	shalt  }
0x5b: {  	_ =	shalt  }
0x5c: {  	_ =	shalt  }
0x5d: {  	_ =	shalt  }
0x5e: {  	_ =	shalt  }
0x5f: {  	_ =	shalt  }
0x60: {  	_ =	shalt  }
0x61: {  	_ =	shalt  }
0x62: {  	_ =	shalt  }
0x63: {  	_ =	shalt  }
0x64: {  	_ =	shalt  }
0x65: {  	_ =	shalt  }
0x66: {  	_ =	shalt  }
0x67: {  	_ =	shalt  }
0x68: {  	_ =	shalt  }
0x69: {  	_ =	shalt  }
0x6a: {  	_ =	shalt  }
0x6b: {  	_ =	shalt  }
0x6c: {  	_ =	shalt  }
0x6d: {  	_ =	shalt  }
0x6e: {  	_ =	shalt  }
0x6f: {  	_ =	shalt  }
0x70: {  	_ =	shalt  }
0x71: {  	_ =	shalt  }
0x72: {  	_ =	shalt  }
0x73: {  	_ =	shalt  }
0x74: {  	_ =	shalt  }
0x75: {  	_ =	shalt  }
0x76: {  	_ =	shalt  }
0x77: {  	_ =	shalt  }
0x78: {  	_ =	shalt  }
0x79: {  	_ =	shalt  }
0x7a: {  	_ =	shalt  }
0x7b: {  	_ =	shalt  }
0x7c: {  	_ =	shalt  }
0x7d: {  	_ =	shalt  }
0x7e: {  	_ =	shalt  }
0x7f: {  	_ =	shalt  }
0x80: {  	_ =	shalt  }
0x81: {  	_ =	shalt  }
0x82: {  	_ =	shalt  }
0x83: {  	_ =	shalt  }
0x84: {  	_ =	shalt  }
0x85: {  	_ =	shalt  }
0x86: {  	_ =	shalt  }
0x87: {  	_ =	shalt  }
.Lfunc_end0:
.L_simem_size_0:
called_computation.1_lowered:
.L_overlay_start_0:
0x88: {  	s2 =	sld [smem:$0x3FD9]  }
0x89: {  	s3 =	sld [smem:$0x3FFE];
	_ =	sdelay $0x1  }
0x8a: {  	s1 =	srdreg.scid  }
0x8b: {  	s0 =	sand.u32 $0x1, s1  }
0x8c: {  	s14 =	sshll.u32 s0, $0xA;
	s2 =	sadd.s32 s3, s2  }
0x8d: {  	s2 =	sadd.s32 s2, s14  }
0x8e: {  	[smem:$0x3FC0] =	sst s2  }
0x8f: {  	_ = 	snop  }
0x90: {  	s2 =	sld [smem:$0x3FD0];
	_ =	sdelay $0x2  }
0x91: {  	s15 =	simm.s32 $0xA;
	s4 =	simm.s32 $0x10  }
0x92: {  	[smem:s4], [sflag:s15] =	dma.local [hbm:s2], $0x1  }
0x93: {  	_ =	swait.eq [sflag:s15], $0x1  }
0x94: {  	[sflag:s15] =	ssyncset.done $0x0  }
0x95: {  	s16 =	sld [smem:$0x10];
	[sflag:s15] =	ssyncadd.s32 $0xFFFFFFFF  }
0x96: {  	s17 =	sld [smem:$0x11];
	(tm) =	ssettm $0x1  }
0x97: {  	s18 =	sld [smem:$0x3FFB];
	_ =	sdelay $0x3  }
0x98: {  	_ =	strace s18  }
0x99: {  	s4 =	sld [smem:$0x3FFC];
	_ =	sdelay $0x3  }
0x9a: {  	_ =	strace s4  }
0x9b: {  	s4 =	sld [smem:$0x3FFD];
	_ =	sdelay $0x3  }
0x9c: {  	_ =	strace s4  }
0x9d: {  	_ =	strace $0x8FFFFFFF  }
0x9e: {  	s19 =	sld [smem:$0x3FDB];
	_ =	sdelay $0x1  }
0x9f: {  	s5 =	simm.s32 $_scs_section_size  }
0xa0: {  	s6 =	simm.s32 $_size__tile_overlayer_lowered;
	s7 =	simm.s32 $_tile_overlayer_lowered  }
0xa1: {  	s22 =	simm.s32 $0x1BFF;
	s21 =	sshll.u32 s7, $0x1;
	s4 =	sadd.s32 s5, s19  }
0xa2: {  	s8 =	simm.s32 $0x0;
	s20 =	sshll.u32 s6, $0x1;
	s6 =	sadd.s32 s21, s4  }
0xa3: {  	[timem:s8], [sflag:s22] =	dma.local [hbm:s6], s20  }
0xa4: {  	_ =	swait.ge [sflag:s22], s20  }
0xa5: {  	s5 =	ssub.s32 $0x0, s20;
	[sflag:s22] =	ssyncset.done $0x0  }
0xa6: {  	[sflag:s22] =	ssyncadd.s32 s5;
	_ =	sdelay $0x1  }
0xa7: {  	s23 =	simm.s32 $0x1B8B  }
0xa8: {  	_ =	swait.ge [sflag:s23], $0x1  }
0xa9: {  	[sflag:s23] =	ssyncset.done $0x0  }
0xaa: {  	s25 =	simm.s32 $0x1B8E;
	s24 =	sld [smem:$0x3FFE];
	[sflag:s23] =	ssyncadd.s32 $0xFFFFFFFF  }
0xab: {  	s26 =	simm.s32 $execute0_lowered;
	[smem:$0x3FD2] =	sst s25  }
0xac: {  	s6 =	sshll.u32 s26, $0x1;
	_ =	strace $0x80000049;
	[dreg:$0x1] =	wrdreg $0xFFFFFFFF  }
0xad: {  	s28 =	simm.s32 $_size_execute0_lowered;
	s4 =	sadd.s32 s4, s6;
	[dreg:$0x0] =	wrdreg $0x0  }
0xae: {  	s6 =	sshll.u32 s28, $0x1;
	[dreg:$0x2] =	wrdreg s4  }
0xaf: {  	[dreg:$0x3] =	wrdreg s6  }
0xb0: {  	[dreg:$0x4] =	wrdreg $0xC0  }
0xb1: {  	_ =	task [dreg:s8], $0x5FFFF  }
0xb2: {  	[dreg:$0x1] =	wrdreg $0xFFFFFFFF  }
0xb3: {  	[dreg:$0x0] =	wrdreg $0x60  }
0xb4: {  	[dreg:$0x2] =	wrdreg s17  }
0xb5: {  	[dreg:$0x3] =	wrdreg s24  }
0xb6: {  	[dreg:$0x4] =	wrdreg s16  }
0xb7: {  	[dreg:$0x5] =	wrdreg $0x29000  }
0xb8: {  	[dreg:$0x6] =	wrdreg $0x9  }
0xb9: {  	_ =	task.clear_ibuf [dreg:s8], $0x7FFFF;
	_ =	strace $0x90000049  }
0xba: {  	s29 =	simm.s32 $0x9;
	_ =	strace $0x8000004B  }
0xbb: {  	_ =	swait.ge [sflag:s29], $0x1  }
0xbc: {  	[sflag:s29] =	ssyncadd.s32 $0xFFFFFFFF  }
0xbd: {  	_ =	strace $0x9000004B  }
0xbe: {  	_ =	sfence  }
0xbf: {  	s30 =	sld [smem:$0x0];
	_ =	sdelay $0x2  }
0xc0: {  	s31 =	sshll.u32 s1, $0xD;
	s1 =	sshrl.u32 s1, $0x2  }
0xc1: {  	s3 =	sand.u32 $0x4000, s31;
	s1 =	sadd.s32 s1, s30  }
0xc2: {  	s0 =	sor.u32 s3, s0;
	s1 =	sshll.u32 s1, $0x11  }
0xc3: {  	s0 =	sor.u32 s1, s0  }
0xc4: {  	s0 =	sadd.s32 $0x8F2B, s0  }
0xc5: {  	[sflag:s0] =	ssyncadd.remote.s32 $0x1  }
0xc6: {  	_ =	sfence.sel $0xFFFF  }
0xc7: {  	[dreg:$0x0] =	wrdreg $0xFFFFFFFF;
	(pc) =	sbr.abs _section_cstart, $3  }
0xc8: {  	[dreg:$0x1] =	wrdreg $0xFFFFFFFF  }
0xc9: {  	_ =	task.clear_ibuf [dreg:s8], $0x2FFFF;
	_ =	strace $0x9FFFFFFF  }
0xca: {  	(tm) =	ssettm $0x7FFFFFFF  }
0xcb: {  	_ =	shalt  }
tec
execute0_lowered:
.L_overlay_start_1:
0x0: {  	(tag) =	ssettag $0x1  }
0x1: {  	s0 =	rddreg [dreg:$0x0]  }
0x2: {  	s5 =	rddreg [dreg:$0x1]  }
0x3: {  	s1 =	srdreg.scid;
	s7 =	rddreg [dreg:$0x2]  }
0x4: {  	s8 =	stileid.u32;
	s2 =	rddreg [dreg:$0x3];
	s3 =	simm.s32 $0x0  }
0x5: {  	s13 =	simm.s32 $0x100;
	s14 =	simm.s32 $0x1;
	s15 =	simm.s32 $0x0  }
0x6: {  	s4 =	sand.u32 $0x1, s1;
	s9 =	smul.u32 $0x2710, s8;
	s1 =	rddreg [dreg:$0x4]  }
0x7: {  	[smem:$0x7FF] =	sst s3;
	p0 =	sne.s32 s8, $0x0;
	s6 =	smul.u32 $0x27100, s4  }
0x8: {  	s30 =	smul.u32 $0x27800, s4;
	s10 =	ssub.s32 $0x2, s4;
	_ =	strace $0x8000004A  }
0x9: {  	s4 =	sadd.s32 $0xBE00, s5;
	s12 =	sshrl.u32 s10, $0x1;
	s6 =	sadd.s32 s9, s6  }
0xa: {  	s31 =	ssub.s32 s10, s12;
	s10 =	simm.s32 $0x2;
	s9 =	sshrl.u32 s6, $0x3  }
0xb: {  	s12 =	simm.s32 $0x50;
	s6 =	smax.u32 s31, $0x1;
	s11 =	sadd.s32 s9, s5  }
0xc: {  	s5 =	sadd.s32 s30, s5;
	s7 =	sadd.s32 s9, s7;
	s9 =	sshrl.u32 @!p0 s2, $0x3  }
0xd: {  	s5 =	sadd.s32 $0x33600, s5;
	s8 =	sadd.s32 $0x1E00, s11;
	s11 =	simm.s32 $0x80  }
.LBB2_1:
0xe: {  	s16 =	simm.s32 @!p0 $0x1C02  }
0xf: {  	[spmem:s9], [sflag:s16] =	dma.local @!p0 [hbm:s4], $0x27800  }
0x10: {  	s16 =	simm.s32 @!p0 $0x2  }
0x11: {  	_ =	swait.ge @!p0 [sflag:s16], $0x27800  }
0x12: {  	[sflag:s16] =	ssyncset.done @!p0 $0x0  }
0x13: {  	[sflag:s16] =	ssyncadd.s32 @!p0 $0xFFFD8800  }
0x14: {  	s30 =	sadd.s32 $0x0, s8;
	[bflag:$0x0] =	sbarrier.arrive $0xFFFF  }
0x15: {  	[tilespmem:s3], [sflag:$0x2] =	stream.linear.gather [hbm4b:s30+s3], $0x50, $0x38;
	[tilespmem:$0x16500] =	vst v63  }
0x16: {  	_ =	swait.ge [sflag:s10], $0x50  }
0x17: {  	[sflag:s10] =	ssyncset.done $0x0  }
0x18: {  	s31 =	sadd.s32 $0x0, s7;
	[sflag:s10] =	ssyncadd.s32 $0xFFFFFFB0  }
0x19: {  	[tilespmem:s11], [sflag:$0x2] =	stream.linear.gather [hbm4b:s31+s3], $0x50, $0x38;
	[tilespmem:$0x16500] =	vst v63  }
0x1a: {  	_ =	swait.ge [sflag:s10], $0x50  }
0x1b: {  	[sflag:s10] =	ssyncset.done $0x0  }
0x1c: {  	[sflag:s10] =	ssyncadd.s32 $0xFFFFFFB0  }
0x1d: {  	[tilespmem:s13], [sflag:$0x1] =	stream.indirect.gather [hbm4b:s0+s12], $0x80, s3, s12, $0xb8;
	[tilespmem:$0x16500] =	vst v63  }
0x1e: {  	_ =	swait.ge [sflag:s14], $0x2800  }
0x1f: {  	[sflag:s14] =	ssyncset.done $0x0  }
0x20: {  	[sflag:s14] =	ssyncadd.s32 $0xFFFFD800  }
0x21: {  	[spmem:s2] =	stream.indirect.scatter.add.f32 [tilespmem:s13], [sflag:$0x2], $0x80, s11, s12, $0xb8;
	[tilespmem:$0x16500] =	vst v63  }
0x22: {  	_ =	swait.ge [sflag:s10], $0x2800  }
0x23: {  	s17 =	simm.s32 $0x14;
	s16 =	simm.s32 $0xA;
	[sflag:s10] =	ssyncset.done $0x0  }
.LBB2_2:
0x24: {  	s18 =	sadd.s32 s16, s8  }
0x25: {  	[sflag:s10] =	ssyncadd.s32 $0xFFFFD800;
	s19 =	smov.u32 s17;
	s20 =	sadd.s32 $0xA, s17  }
0x26: {  	[tilespmem:s3], [sflag:$0x2] =	stream.linear.gather [hbm4b:s18+s3], $0x50, $0x38;
	[tilespmem:$0x16500] =	vst v63  }
0x27: {  	p1 =	sne.s32 s17, $0x4D8;
	_ =	swait.ge [sflag:s10], $0x50  }
0x28: {  	[sflag:s10] =	ssyncset.done $0x0  }
0x29: {  	s17 =	sadd.s32 s16, s7;
	s16 =	smov.u32 s19;
	[sflag:s10] =	ssyncadd.s32 $0xFFFFFFB0  }
0x2a: {  	[tilespmem:s11], [sflag:$0x2] =	stream.linear.gather [hbm4b:s17+s3], $0x50, $0x38;
	[tilespmem:$0x16500] =	vst v63  }
0x2b: {  	_ =	swait.ge [sflag:s10], $0x50  }
0x2c: {  	[sflag:s10] =	ssyncset.done $0x0  }
0x2d: {  	[sflag:s10] =	ssyncadd.s32 $0xFFFFFFB0  }
0x2e: {  	[tilespmem:s13], [sflag:$0x1] =	stream.indirect.gather [hbm4b:s0+s12], $0x80, s3, s12, $0xb8;
	[tilespmem:$0x16500] =	vst v63  }
0x2f: {  	_ =	swait.ge [sflag:s14], $0x2800  }
.Ltmp0:
0x30: {  	[sflag:s14] =	ssyncset.done $0x0;
	(pc) =	sbr.rel @p1 .LBB2_2-.Ltmp0, $4  }
0x31: {  	[sflag:s14] =	ssyncadd.s32 $0xFFFFD800  }
0x32: {  	[spmem:s2] =	stream.indirect.scatter.add.f32 [tilespmem:s13], [sflag:$0x2], $0x80, s11, s12, $0xb8;
	[tilespmem:$0x16500] =	vst v63  }
0x33: {  	_ =	swait.ge [sflag:s10], $0x2800  }
0x34: {  	s17 =	smov.u32 s20;
	[sflag:s10] =	ssyncset.done $0x0  }
0x35: {  	s17 =	sadd.s32 s16, s8;
	[sflag:s10] =	ssyncadd.s32 $0xFFFFD800  }
0x36: {  	[tilespmem:s3], [sflag:$0x2] =	stream.linear.gather [hbm4b:s17+s3], $0x50, $0x38;
	[tilespmem:$0x16500] =	vst v63  }
0x37: {  	_ =	swait.ge [sflag:s10], $0x50  }
0x38: {  	[sflag:s10] =	ssyncset.done $0x0  }
0x39: {  	s31 =	sadd.s32 s16, s7;
	[sflag:s10] =	ssyncadd.s32 $0xFFFFFFB0  }
0x3a: {  	[tilespmem:s11], [sflag:$0x2] =	stream.linear.gather [hbm4b:s31+s3], $0x50, $0x38;
	[tilespmem:$0x16500] =	vst v63  }
0x3b: {  	_ =	swait.ge [sflag:s10], $0x50  }
0x3c: {  	[sflag:s10] =	ssyncset.done $0x0  }
0x3d: {  	[sflag:s10] =	ssyncadd.s32 $0xFFFFFFB0  }
0x3e: {  	[tilespmem:s13], [sflag:$0x1] =	stream.indirect.gather [hbm4b:s0+s12], $0x80, s3, s12, $0xb8;
	[tilespmem:$0x16500] =	vst v63  }
0x3f: {  	_ =	swait.ge [sflag:s14], $0x2800  }
0x40: {  	[sflag:s14] =	ssyncset.done $0x0  }
0x41: {  	[sflag:s14] =	ssyncadd.s32 $0xFFFFD800  }
0x42: {  	[spmem:s2] =	stream.indirect.scatter.add.f32 [tilespmem:s13], [sflag:$0x2], $0x80, s11, s12, $0xb8;
	[tilespmem:$0x16500] =	vst v63  }
0x43: {  	_ =	swait.ge [sflag:s10], $0x2800  }
0x44: {  	[sflag:s10] =	ssyncset.done $0x0  }
0x45: {  	s15 =	sadd.s32 $0x1, s15;
	[sflag:s10] =	ssyncadd.s32 $0xFFFFD800  }
0x46: {  	s16 =	simm.s32 @!p0 $0x1C02;
	p1 =	sne.s32 s15, s6;
	[bflag:$0x0] =	sbarrier.arrive $0xFFFF  }
0x47: {  	[hbm:s5], [sflag:s16] =	dma.local @!p0 [spmem:s9], $0x27800  }
.Ltmp1:
0x48: {  	_ = 	snop;
	(pc) =	sbr.rel @p1 .LBB2_1-.Ltmp1, $4  }
0x49: {  	s16 =	simm.s32 @!p0 $0x2  }
0x4a: {  	_ =	swait.ge @!p0 [sflag:s16], $0x27800  }
0x4b: {  	[sflag:s16] =	ssyncset.done @!p0 $0x0  }
0x4c: {  	[sflag:s16] =	ssyncadd.s32 @!p0 $0xFFFD8800  }
0x4d: {  	_ =	sfence.sel $0x180000  }
0x4e: {  	[bflag:$0x0] =	sbarrier.arrive $0xFFFF  }
0x4f: {  	_ =	strace $0x9000004A  }
0x50: {  	s0 =	sadd.s32 @!p0 $0x100000, s1;
	[bflag:$0x2] =	sbarrier.arrive $0xFFFF  }
0x51: {  	[sflag:s0] =	ssyncadd.tile.s32 @!p0 $0x1;
	_ =	shalt  }
.Lfunc_end2:
_tile_overlayer_lowered:
.L_overlay_start_2:
0x52: {  	(tag) =	ssettag $0x2  }
0x53: {  	s0 =	rddreg [dreg:$0x0];
	s2 =	stileid.u32  }
0x54: {  	s1 =	rddreg [dreg:$0x1];
	p0 =	sne.s32 s2, $0x0  }
0x55: {  	s3 =	rddreg [dreg:$0x2];
	[bflag:$0x3] =	sbarrier.arrive $0xFFFF;
	s2 =	simm.s32 @!p0 $0x1C02  }
0x56: {  	[timem:s3], [sflag:s2] =	dma.local @!p0 [hbm:s0], s1  }
0x57: {  	s0 =	simm.s32 @!p0 $0x2  }
0x58: {  	_ =	swait.ge @!p0 [sflag:s0], s1  }
0x59: {  	s1 =	ssub.s32 @!p0 $0x0, s1;
	[sflag:s0] =	ssyncset.done @!p0 $0x0  }
0x5a: {  	[sflag:s0] =	ssyncadd.s32 @!p0 s1  }
0x5b: {  	[bflag:$0x3] =	sbarrier.arrive $0xFFFF  }
0x5c: {  	_ =	shalt  }

</sc_bundles>
